<compile_context>
chip_gen: v7x
topology: tpu7x:2x2x1
jax: 0.10.2.dev20260603
libtpu: 0.0.44.dev20260713+nightly
codegen_flags: <defaults>
</compile_context>

<pallas_src>
import functools

import jax
import jax.numpy as jnp
from jax import lax
from jax.experimental import pallas as pl
from jax.experimental.pallas import tpu as pltpu
from jax.experimental.pallas import tpu_sc as plsc

D_MODEL = 768
MAXLEN = 8192
SEQ = 2 * MAXLEN - 1
NW = 32
B_PER_W = 512
C = 32
NCH = B_PER_W // C
L = 16
LAST_BASE = SEQ + 1 - 8 - B_PER_W
TAIL_BASE = LAST_BASE + B_PER_W

_mesh = plsc.VectorSubcoreMesh(core_axis_name="c", subcore_axis_name="s")


@functools.partial(
    pl.kernel,
    out_type=jax.ShapeDtypeStruct((SEQ, D_MODEL), jnp.float32),
    mesh=_mesh,
    scratch_types=[
        pltpu.VMEM((B_PER_W,), jnp.int32),
        pltpu.VMEM((C, D_MODEL), jnp.float32),
        pltpu.VMEM((C, D_MODEL), jnp.float32),
        pltpu.VMEM((C, D_MODEL), jnp.float32),
        pltpu.VMEM((C, D_MODEL), jnp.float32),
        pltpu.VMEM((L,), jnp.int32),
        pltpu.VMEM((L,), jnp.int32),
        pltpu.VMEM((L, D_MODEL), jnp.float32),
        pltpu.SemaphoreType.DMA,
        pltpu.SemaphoreType.DMA,
        pltpu.SemaphoreType.DMA,
        pltpu.SemaphoreType.DMA,
        pltpu.SemaphoreType.DMA,
        pltpu.SemaphoreType.DMA,
        pltpu.SemaphoreType.DMA,
        pltpu.SemaphoreType.DMA,
        pltpu.SemaphoreType.DMA,
    ],
)
def _pe_gather(idx_hbm, table_hbm, out_hbm, idx_v, buf0, buf1, buf2, buf3,
               tail_pos, tail_idx, tail_buf,
               gsem0, gsem1, gsem2, gsem3, ssem0, ssem1, ssem2, ssem3, tsem):
    wid = lax.axis_index("s") * 2 + lax.axis_index("c")
    base = pl.multiple_of(jnp.minimum(wid * B_PER_W, LAST_BASE), 8)
    pltpu.sync_copy(idx_hbm.at[pl.ds(base, B_PER_W)], idx_v)

    def clamp_chunk(c):
        for i in range(C // L):
            p = idx_v[pl.ds(c * C + i * L, L)]
            p = jnp.minimum(jnp.maximum(p, -MAXLEN), MAXLEN - 1) + MAXLEN
            idx_v[pl.ds(c * C + i * L, L)] = p

    bufs = (buf0, buf1, buf2, buf3)
    gsems = (gsem0, gsem1, gsem2, gsem3)
    ssems = (ssem0, ssem1, ssem2, ssem3)
    NBUF = 4
    AHEAD = 3
    gathers = [None] * NBUF
    stores = [None] * NBUF

    def start_gather(c):
        b = c % NBUF
        gathers[b] = pltpu.async_copy(
            table_hbm.at[idx_v.at[pl.ds(c * C, C)]], bufs[b], gsems[b]
        )

    is_last = wid == NW - 1
    tail_chain = [None]

    @pl.when(is_last)
    def _tail_stage0():
        tail_pos[...] = jnp.minimum(lax.iota(jnp.int32, L) + TAIL_BASE, SEQ - 1)
        tail_chain[0] = pltpu.async_copy(idx_hbm.at[tail_pos], tail_idx, tsem)

    def tail_stage(c):
        if c == 4:
            @pl.when(is_last)
            def _clamp_and_gather():
                tail_chain[0].wait()
                p = tail_idx[...]
                tail_idx[...] = (
                    jnp.minimum(jnp.maximum(p, -MAXLEN), MAXLEN - 1) + MAXLEN
                )
                tail_chain[0] = pltpu.async_copy(
                    table_hbm.at[tail_idx], tail_buf, tsem
                )
        elif c == 10:
            @pl.when(is_last)
            def _scatter():
                tail_chain[0].wait()
                tail_chain[0] = pltpu.async_copy(
                    tail_buf, out_hbm.at[tail_pos], tsem
                )

    for k in range(AHEAD):
        clamp_chunk(k)
        start_gather(k)
    for c in range(NCH):
        b = c % NBUF
        gathers[b].wait()
        stores[b] = pltpu.async_copy(
            bufs[b], out_hbm.at[pl.ds(base + c * C, C)], ssems[b]
        )
        n = c + AHEAD
        if n < NCH:
            nb = n % NBUF
            if stores[nb] is not None:
                stores[nb].wait()
                stores[nb] = None
            clamp_chunk(n)
            start_gather(n)
        tail_stage(c)

    for h in stores:
        if h is not None:
            h.wait()

    @pl.when(is_last)
    def _tail_drain():
        tail_chain[0].wait()


def kernel(pos_seq, W_k):
    return _pe_gather(pos_seq, W_k)

# --- scband reference (transcript-rebuilt; emitter-appended) ---
"""Pipeline reference for scband-relative-positional-encoding-41171556499719 (READ-ONLY COPY).

The authoritative reference and input builder live on the scoring server;
editing this copy changes nothing except your own understanding.
"""

import jax, jax.numpy as jnp
import numpy as np

D_MODEL = 768
MAXLEN = 8192
SEQ = 2 * MAXLEN - 1  # 16383


def setup_inputs(seed: int = 0) -> dict:
    key = jax.random.key(seed)
    k1, k2 = jax.random.split(key)
    pos_seq = jax.random.randint(k1, (SEQ,), 0, MAXLEN, dtype=jnp.int32)
    # pe_k embedding table: (2*maxlen, d_model), torch.nn.Embedding default init ~ N(0,1)
    W_k = jax.random.normal(k2, (2 * MAXLEN, D_MODEL), dtype=jnp.float32)
    return {"pos_seq": pos_seq, "W_k": W_k}


def reference(pos_seq, W_k):
    # Faithful translation of RelativePositionalEncoding.forward with embed_v=False:
    #   pos_seq[pos_seq < -maxlen] = -maxlen
    #   pos_seq[pos_seq >= maxlen] = maxlen - 1
    #   pos_seq = pos_seq + maxlen
    #   return pe_k(pos_seq), None
    p = jnp.where(pos_seq < -MAXLEN, -MAXLEN, pos_seq)
    p = jnp.where(p >= MAXLEN, MAXLEN - 1, p)
    p = p + MAXLEN
    pe_k = jnp.take(W_k, p, axis=0)
    return pe_k

if __name__ == "__main__":
    import jax
    _d = setup_inputs()
    print(jax.jit(kernel)(*tuple(_d.values())))

</pallas_src>

<mosaic_0001>
#map = affine_map<(d0, d1) -> (0)>
#map1 = affine_map<(d0, d1) -> (0, 0)>
module attributes {stable_mosaic.version = 14 : i64} {
  func.func @_pe_gather(%arg0: i32, %arg1: i32, %arg2: memref<16383xi32, #tpu.memory_space<hbm>>, %arg3: memref<16384x768xf32, #tpu.memory_space<hbm>>, %arg4: memref<16383x768xf32, #tpu.memory_space<hbm>>, %arg5: memref<512xi32, #tpu.memory_space<vmem>>, %arg6: memref<32x768xf32, #tpu.memory_space<vmem>>, %arg7: memref<32x768xf32, #tpu.memory_space<vmem>>, %arg8: memref<32x768xf32, #tpu.memory_space<vmem>>, %arg9: memref<32x768xf32, #tpu.memory_space<vmem>>, %arg10: memref<16xi32, #tpu.memory_space<vmem>>, %arg11: memref<16xi32, #tpu.memory_space<vmem>>, %arg12: memref<16x768xf32, #tpu.memory_space<vmem>>, %arg13: memref<!tpu.dma_semaphore, #tpu.memory_space<semaphore_mem>>, %arg14: memref<!tpu.dma_semaphore, #tpu.memory_space<semaphore_mem>>, %arg15: memref<!tpu.dma_semaphore, #tpu.memory_space<semaphore_mem>>, %arg16: memref<!tpu.dma_semaphore, #tpu.memory_space<semaphore_mem>>, %arg17: memref<!tpu.dma_semaphore, #tpu.memory_space<semaphore_mem>>, %arg18: memref<!tpu.dma_semaphore, #tpu.memory_space<semaphore_mem>>, %arg19: memref<!tpu.dma_semaphore, #tpu.memory_space<semaphore_mem>>, %arg20: memref<!tpu.dma_semaphore, #tpu.memory_space<semaphore_mem>>, %arg21: memref<!tpu.dma_semaphore, #tpu.memory_space<semaphore_mem>>) attributes {dimension_semantics = [#tpu.dimension_semantics<core_parallel>, #tpu.dimension_semantics<subcore_parallel>], iteration_bounds = array<i64: 2, 16>, scalar_prefetch = 0 : i64, scratch_operands = 17 : i64, tpu.core_type = #tpu.core_type<sc_vector_subcore>, window_params = [{transform_indices = #map}, {transform_indices = #map1}, {transform_indices = #map1}]} {
    %mul3A = arith.constant 2 : i32
    %mul3A_0 = arith.muli %arg1, %mul3A : i32
    %add3A = arith.addi %mul3A_0, %arg0 : i32
    %mul3A_1 = arith.constant 512 : i32
    %mul3A_2 = arith.muli %add3A, %mul3A_1 : i32
    %min3A = arith.constant 15864 : i32
    %min3A_3 = arith.minsi %mul3A_2, %min3A : i32
    %multiple_of3A = tpu.assume_multiple %min3A_3, 8 : i32
    "tpu.region"() ({
      %run_scoped3A = tpu.sem_alloc : memref<!tpu.dma_semaphore, #tpu.memory_space<semaphore_mem>>
      %dma_start3A_842 = tpu.memref_slice %arg2[%multiple_of3A] : memref<16383xi32, #tpu.memory_space<hbm>> -> memref<512xi32, #tpu.memory_space<hbm>>
      %dma_start3A_843 = tpu.memref_slice %arg2[%multiple_of3A] : memref<16383xi32, #tpu.memory_space<hbm>> -> memref<512xi32, #tpu.memory_space<hbm>>
      tpu.enqueue_dma source(%dma_start3A_843 : memref<512xi32, #tpu.memory_space<hbm>>) target(%arg5 : memref<512xi32, #tpu.memory_space<vmem>>) target_semaphore(%run_scoped3A : memref<!tpu.dma_semaphore, #tpu.memory_space<semaphore_mem>>)
      %dma_wait3A_844 = tpu.memref_slice %arg2[%multiple_of3A] : memref<16383xi32, #tpu.memory_space<hbm>> -> memref<512xi32, #tpu.memory_space<hbm>>
      %dma_wait3A_845 = tpu.memref_slice %arg2[%multiple_of3A] : memref<16383xi32, #tpu.memory_space<hbm>> -> memref<512xi32, #tpu.memory_space<hbm>>
      tpu.wait_dma2 semaphore(%run_scoped3A : memref<!tpu.dma_semaphore, #tpu.memory_space<semaphore_mem>>) src(%dma_wait3A_845 : memref<512xi32, #tpu.memory_space<hbm>>) dst(%arg5 : memref<512xi32, #tpu.memory_space<vmem>>)
      tpu.yield
    }) : () -> ()
    %eq3A = arith.constant 31 : i32
    %eq3A_4 = arith.cmpi eq, %add3A, %eq3A : i32
    %convert_element_type3A = arith.extui %eq3A_4 : i1 to i32
    %cond3A = arith.constant 0 : i32
    %cond3A_5 = arith.cmpi ne, %convert_element_type3A, %cond3A : i32
    scf.if %cond3A_5 {
      %iota3A = tpu.iota {dimensions = array<i32: 0>} : vector<16xi32>
      %add3A_842 = arith.constant 16376 : i32
      %add3A_843 = vector.broadcast %add3A_842 : i32 to vector<16xi32>
      %add3A_844 = arith.addi %iota3A, %add3A_843 : vector<16xi32>
      %min3A_845 = arith.constant 16382 : i32
      %min3A_846 = vector.broadcast %min3A_845 : i32 to vector<16xi32>
      %min3A_847 = arith.minsi %add3A_844, %min3A_846 : vector<16xi32>
      %swap3A_848 = arith.constant 0 : index
      %swap3A_849 = tpu.vector_load %arg10[%swap3A_848] {strides = array<i32>} : memref<16xi32, #tpu.memory_space<vmem>>, vector<16xi32>,
      %swap3A_850 = vector.shape_cast %swap3A_849 : vector<16xi32> to vector<16xi32>
      %swap3A_851 = vector.shape_cast %min3A_847 : vector<16xi32> to vector<16xi32>
      tpu.vector_store %arg10[%swap3A_848], %swap3A_851 {strides = array<i32>} : memref<16xi32, #tpu.memory_space<vmem>>, vector<16xi32>,
      %dma_start3A_852 = arith.constant 0 : i32
      %dma_start3A_853 = tpu.memref_slice %arg2[%dma_start3A_852] : memref<16383xi32, #tpu.memory_space<hbm>> -> memref<16383xi32, #tpu.memory_space<hbm>>
      tpu.enqueue_indirect_dma source(%dma_start3A_853 : memref<16383xi32, #tpu.memory_space<hbm>>) target(%arg11 : memref<16xi32, #tpu.memory_space<vmem>>) offsets(%arg10 : memref<16xi32, #tpu.memory_space<vmem>>) semaphore(%arg21 : memref<!tpu.dma_semaphore, #tpu.memory_space<semaphore_mem>>)
    } else {
    }
    %get3A = arith.constant 0 : index
    %get3A_6 = tpu.vector_load %arg5[%get3A] {strides = array<i32>} : memref<512xi32, #tpu.memory_space<vmem>>, vector<16xi32>,
    %get3A_7 = vector.shape_cast %get3A_6 : vector<16xi32> to vector<16xi32>
    %max3A = arith.constant -8192 : i32
    %max3A_8 = vector.broadcast %max3A : i32 to vector<16xi32>
    %max3A_9 = arith.maxsi %get3A_7, %max3A_8 : vector<16xi32>
    %min3A_10 = arith.constant 8191 : i32
    %min3A_11 = vector.broadcast %min3A_10 : i32 to vector<16xi32>
    %min3A_12 = arith.minsi %max3A_9, %min3A_11 : vector<16xi32>
    %add3A_13 = arith.constant 8192 : i32
    %add3A_14 = vector.broadcast %add3A_13 : i32 to vector<16xi32>
    %add3A_15 = arith.addi %min3A_12, %add3A_14 : vector<16xi32>
    %swap3A = arith.constant 0 : index
    %swap3A_16 = tpu.vector_load %arg5[%swap3A] {strides = array<i32>} : memref<512xi32, #tpu.memory_space<vmem>>, vector<16xi32>,
    %swap3A_17 = vector.shape_cast %swap3A_16 : vector<16xi32> to vector<16xi32>
    %swap3A_18 = vector.shape_cast %add3A_15 : vector<16xi32> to vector<16xi32>
    tpu.vector_store %arg5[%swap3A], %swap3A_18 {strides = array<i32>} : memref<512xi32, #tpu.memory_space<vmem>>, vector<16xi32>,
    %get3A_19 = arith.constant 16 : index
    %get3A_20 = tpu.vector_load %arg5[%get3A_19] {strides = array<i32>} : memref<512xi32, #tpu.memory_space<vmem>>, vector<16xi32>,
    %get3A_21 = vector.shape_cast %get3A_20 : vector<16xi32> to vector<16xi32>
    %max3A_22 = arith.constant -8192 : i32
    %max3A_23 = vector.broadcast %max3A_22 : i32 to vector<16xi32>
    %max3A_24 = arith.maxsi %get3A_21, %max3A_23 : vector<16xi32>
    %min3A_25 = arith.constant 8191 : i32
    %min3A_26 = vector.broadcast %min3A_25 : i32 to vector<16xi32>
    %min3A_27 = arith.minsi %max3A_24, %min3A_26 : vector<16xi32>
    %add3A_28 = arith.constant 8192 : i32
    %add3A_29 = vector.broadcast %add3A_28 : i32 to vector<16xi32>
    %add3A_30 = arith.addi %min3A_27, %add3A_29 : vector<16xi32>
    %swap3A_31 = arith.constant 16 : index
    %swap3A_32 = tpu.vector_load %arg5[%swap3A_31] {strides = array<i32>} : memref<512xi32, #tpu.memory_space<vmem>>, vector<16xi32>,
    %swap3A_33 = vector.shape_cast %swap3A_32 : vector<16xi32> to vector<16xi32>
    %swap3A_34 = vector.shape_cast %add3A_30 : vector<16xi32> to vector<16xi32>
    tpu.vector_store %arg5[%swap3A_31], %swap3A_34 {strides = array<i32>} : memref<512xi32, #tpu.memory_space<vmem>>, vector<16xi32>,
    %dma_start3A = arith.constant 0 : i32
    %dma_start3A_35 = tpu.memref_slice %arg5[%dma_start3A] : memref<512xi32, #tpu.memory_space<vmem>> -> memref<32xi32, #tpu.memory_space<vmem>>
    %dma_start3A_36 = arith.constant 0 : i32
    %dma_start3A_37 = arith.constant 0 : i32
    %dma_start3A_38 = tpu.memref_slice %arg3[%dma_start3A_36, %dma_start3A_37] : memref<16384x768xf32, #tpu.memory_space<hbm>> -> memref<16384x768xf32, #tpu.memory_space<hbm>>
    tpu.enqueue_indirect_dma source(%dma_start3A_38 : memref<16384x768xf32, #tpu.memory_space<hbm>>) target(%arg6 : memref<32x768xf32, #tpu.memory_space<vmem>>) offsets(%dma_start3A_35 : memref<32xi32, #tpu.memory_space<vmem>>) semaphore(%arg13 : memref<!tpu.dma_semaphore, #tpu.memory_space<semaphore_mem>>)
    %get3A_39 = arith.constant 32 : index
    %get3A_40 = tpu.vector_load %arg5[%get3A_39] {strides = array<i32>} : memref<512xi32, #tpu.memory_space<vmem>>, vector<16xi32>,
    %get3A_41 = vector.shape_cast %get3A_40 : vector<16xi32> to vector<16xi32>
    %max3A_42 = arith.constant -8192 : i32
    %max3A_43 = vector.broadcast %max3A_42 : i32 to vector<16xi32>
    %max3A_44 = arith.maxsi %get3A_41, %max3A_43 : vector<16xi32>
    %min3A_45 = arith.constant 8191 : i32
    %min3A_46 = vector.broadcast %min3A_45 : i32 to vector<16xi32>
    %min3A_47 = arith.minsi %max3A_44, %min3A_46 : vector<16xi32>
    %add3A_48 = arith.constant 8192 : i32
    %add3A_49 = vector.broadcast %add3A_48 : i32 to vector<16xi32>
    %add3A_50 = arith.addi %min3A_47, %add3A_49 : vector<16xi32>
    %swap3A_51 = arith.constant 32 : index
    %swap3A_52 = tpu.vector_load %arg5[%swap3A_51] {strides = array<i32>} : memref<512xi32, #tpu.memory_space<vmem>>, vector<16xi32>,
    %swap3A_53 = vector.shape_cast %swap3A_52 : vector<16xi32> to vector<16xi32>
    %swap3A_54 = vector.shape_cast %add3A_50 : vector<16xi32> to vector<16xi32>
    tpu.vector_store %arg5[%swap3A_51], %swap3A_54 {strides = array<i32>} : memref<512xi32, #tpu.memory_space<vmem>>, vector<16xi32>,
    %get3A_55 = arith.constant 48 : index
    %get3A_56 = tpu.vector_load %arg5[%get3A_55] {strides = array<i32>} : memref<512xi32, #tpu.memory_space<vmem>>, vector<16xi32>,
    %get3A_57 = vector.shape_cast %get3A_56 : vector<16xi32> to vector<16xi32>
    %max3A_58 = arith.constant -8192 : i32
    %max3A_59 = vector.broadcast %max3A_58 : i32 to vector<16xi32>
    %max3A_60 = arith.maxsi %get3A_57, %max3A_59 : vector<16xi32>
    %min3A_61 = arith.constant 8191 : i32
    %min3A_62 = vector.broadcast %min3A_61 : i32 to vector<16xi32>
    %min3A_63 = arith.minsi %max3A_60, %min3A_62 : vector<16xi32>
    %add3A_64 = arith.constant 8192 : i32
    %add3A_65 = vector.broadcast %add3A_64 : i32 to vector<16xi32>
    %add3A_66 = arith.addi %min3A_63, %add3A_65 : vector<16xi32>
    %swap3A_67 = arith.constant 48 : index
    %swap3A_68 = tpu.vector_load %arg5[%swap3A_67] {strides = array<i32>} : memref<512xi32, #tpu.memory_space<vmem>>, vector<16xi32>,
    %swap3A_69 = vector.shape_cast %swap3A_68 : vector<16xi32> to vector<16xi32>
    %swap3A_70 = vector.shape_cast %add3A_66 : vector<16xi32> to vector<16xi32>
    tpu.vector_store %arg5[%swap3A_67], %swap3A_70 {strides = array<i32>} : memref<512xi32, #tpu.memory_space<vmem>>, vector<16xi32>,
    %dma_start3A_71 = arith.constant 32 : i32
    %dma_start3A_72 = tpu.memref_slice %arg5[%dma_start3A_71] : memref<512xi32, #tpu.memory_space<vmem>> -> memref<32xi32, #tpu.memory_space<vmem>>
    %dma_start3A_73 = arith.constant 0 : i32
    %dma_start3A_74 = arith.constant 0 : i32
    %dma_start3A_75 = tpu.memref_slice %arg3[%dma_start3A_73, %dma_start3A_74] : memref<16384x768xf32, #tpu.memory_space<hbm>> -> memref<16384x768xf32, #tpu.memory_space<hbm>>
    tpu.enqueue_indirect_dma source(%dma_start3A_75 : memref<16384x768xf32, #tpu.memory_space<hbm>>) target(%arg7 : memref<32x768xf32, #tpu.memory_space<vmem>>) offsets(%dma_start3A_72 : memref<32xi32, #tpu.memory_space<vmem>>) semaphore(%arg14 : memref<!tpu.dma_semaphore, #tpu.memory_space<semaphore_mem>>)
    %get3A_76 = arith.constant 64 : index
    %get3A_77 = tpu.vector_load %arg5[%get3A_76] {strides = array<i32>} : memref<512xi32, #tpu.memory_space<vmem>>, vector<16xi32>,
    %get3A_78 = vector.shape_cast %get3A_77 : vector<16xi32> to vector<16xi32>
    %max3A_79 = arith.constant -8192 : i32
    %max3A_80 = vector.broadcast %max3A_79 : i32 to vector<16xi32>
    %max3A_81 = arith.maxsi %get3A_78, %max3A_80 : vector<16xi32>
    %min3A_82 = arith.constant 8191 : i32
    %min3A_83 = vector.broadcast %min3A_82 : i32 to vector<16xi32>
    %min3A_84 = arith.minsi %max3A_81, %min3A_83 : vector<16xi32>
    %add3A_85 = arith.constant 8192 : i32
    %add3A_86 = vector.broadcast %add3A_85 : i32 to vector<16xi32>
    %add3A_87 = arith.addi %min3A_84, %add3A_86 : vector<16xi32>
    %swap3A_88 = arith.constant 64 : index
    %swap3A_89 = tpu.vector_load %arg5[%swap3A_88] {strides = array<i32>} : memref<512xi32, #tpu.memory_space<vmem>>, vector<16xi32>,
    %swap3A_90 = vector.shape_cast %swap3A_89 : vector<16xi32> to vector<16xi32>
    %swap3A_91 = vector.shape_cast %add3A_87 : vector<16xi32> to vector<16xi32>
    tpu.vector_store %arg5[%swap3A_88], %swap3A_91 {strides = array<i32>} : memref<512xi32, #tpu.memory_space<vmem>>, vector<16xi32>,
    %get3A_92 = arith.constant 80 : index
    %get3A_93 = tpu.vector_load %arg5[%get3A_92] {strides = array<i32>} : memref<512xi32, #tpu.memory_space<vmem>>, vector<16xi32>,
    %get3A_94 = vector.shape_cast %get3A_93 : vector<16xi32> to vector<16xi32>
    %max3A_95 = arith.constant -8192 : i32
    %max3A_96 = vector.broadcast %max3A_95 : i32 to vector<16xi32>
    %max3A_97 = arith.maxsi %get3A_94, %max3A_96 : vector<16xi32>
    %min3A_98 = arith.constant 8191 : i32
    %min3A_99 = vector.broadcast %min3A_98 : i32 to vector<16xi32>
    %min3A_100 = arith.minsi %max3A_97, %min3A_99 : vector<16xi32>
    %add3A_101 = arith.constant 8192 : i32
    %add3A_102 = vector.broadcast %add3A_101 : i32 to vector<16xi32>
    %add3A_103 = arith.addi %min3A_100, %add3A_102 : vector<16xi32>
    %swap3A_104 = arith.constant 80 : index
    %swap3A_105 = tpu.vector_load %arg5[%swap3A_104] {strides = array<i32>} : memref<512xi32, #tpu.memory_space<vmem>>, vector<16xi32>,
    %swap3A_106 = vector.shape_cast %swap3A_105 : vector<16xi32> to vector<16xi32>
    %swap3A_107 = vector.shape_cast %add3A_103 : vector<16xi32> to vector<16xi32>
    tpu.vector_store %arg5[%swap3A_104], %swap3A_107 {strides = array<i32>} : memref<512xi32, #tpu.memory_space<vmem>>, vector<16xi32>,
    %dma_start3A_108 = arith.constant 64 : i32
    %dma_start3A_109 = tpu.memref_slice %arg5[%dma_start3A_108] : memref<512xi32, #tpu.memory_space<vmem>> -> memref<32xi32, #tpu.memory_space<vmem>>
    %dma_start3A_110 = arith.constant 0 : i32
    %dma_start3A_111 = arith.constant 0 : i32
    %dma_start3A_112 = tpu.memref_slice %arg3[%dma_start3A_110, %dma_start3A_111] : memref<16384x768xf32, #tpu.memory_space<hbm>> -> memref<16384x768xf32, #tpu.memory_space<hbm>>
    tpu.enqueue_indirect_dma source(%dma_start3A_112 : memref<16384x768xf32, #tpu.memory_space<hbm>>) target(%arg8 : memref<32x768xf32, #tpu.memory_space<vmem>>) offsets(%dma_start3A_109 : memref<32xi32, #tpu.memory_space<vmem>>) semaphore(%arg15 : memref<!tpu.dma_semaphore, #tpu.memory_space<semaphore_mem>>)
    %dma_wait3A = arith.constant 0 : i32
    %dma_wait3A_113 = tpu.memref_slice %arg5[%dma_wait3A] : memref<512xi32, #tpu.memory_space<vmem>> -> memref<32xi32, #tpu.memory_space<vmem>>
    %dma_wait3A_114 = arith.constant 0 : i32
    %dma_wait3A_115 = arith.constant 0 : i32
    %dma_wait3A_116 = tpu.memref_slice %arg3[%dma_wait3A_114, %dma_wait3A_115] : memref<16384x768xf32, #tpu.memory_space<hbm>> -> memref<16384x768xf32, #tpu.memory_space<hbm>>
    tpu.wait_indirect_dma semaphore(%arg13 : memref<!tpu.dma_semaphore, #tpu.memory_space<semaphore_mem>>) src(%dma_wait3A_116 : memref<16384x768xf32, #tpu.memory_space<hbm>>) dst(%arg6 : memref<32x768xf32, #tpu.memory_space<vmem>>)
    %add3A_117 = arith.constant 0 : i32
    %add3A_118 = arith.addi %multiple_of3A, %add3A_117 : i32
    %dma_start3A_119 = arith.constant 0 : i32
    %dma_start3A_120 = tpu.memref_slice %arg4[%add3A_118, %dma_start3A_119] : memref<16383x768xf32, #tpu.memory_space<hbm>> -> memref<32x768xf32, #tpu.memory_space<hbm>>
    %dma_start3A_121 = arith.constant 0 : i32
    %dma_start3A_122 = tpu.memref_slice %arg4[%add3A_118, %dma_start3A_121] : memref<16383x768xf32, #tpu.memory_space<hbm>> -> memref<32x768xf32, #tpu.memory_space<hbm>>
    tpu.enqueue_dma source(%arg6 : memref<32x768xf32, #tpu.memory_space<vmem>>) target(%dma_start3A_122 : memref<32x768xf32, #tpu.memory_space<hbm>>) target_semaphore(%arg17 : memref<!tpu.dma_semaphore, #tpu.memory_space<semaphore_mem>>)
    %get3A_123 = arith.constant 96 : index
    %get3A_124 = tpu.vector_load %arg5[%get3A_123] {strides = array<i32>} : memref<512xi32, #tpu.memory_space<vmem>>, vector<16xi32>,
    %get3A_125 = vector.shape_cast %get3A_124 : vector<16xi32> to vector<16xi32>
    %max3A_126 = arith.constant -8192 : i32
    %max3A_127 = vector.broadcast %max3A_126 : i32 to vector<16xi32>
    %max3A_128 = arith.maxsi %get3A_125, %max3A_127 : vector<16xi32>
    %min3A_129 = arith.constant 8191 : i32
    %min3A_130 = vector.broadcast %min3A_129 : i32 to vector<16xi32>
    %min3A_131 = arith.minsi %max3A_128, %min3A_130 : vector<16xi32>
    %add3A_132 = arith.constant 8192 : i32
    %add3A_133 = vector.broadcast %add3A_132 : i32 to vector<16xi32>
    %add3A_134 = arith.addi %min3A_131, %add3A_133 : vector<16xi32>
    %swap3A_135 = arith.constant 96 : index
    %swap3A_136 = tpu.vector_load %arg5[%swap3A_135] {strides = array<i32>} : memref<512xi32, #tpu.memory_space<vmem>>, vector<16xi32>,
    %swap3A_137 = vector.shape_cast %swap3A_136 : vector<16xi32> to vector<16xi32>
    %swap3A_138 = vector.shape_cast %add3A_134 : vector<16xi32> to vector<16xi32>
    tpu.vector_store %arg5[%swap3A_135], %swap3A_138 {strides = array<i32>} : memref<512xi32, #tpu.memory_space<vmem>>, vector<16xi32>,
    %get3A_139 = arith.constant 112 : index
    %get3A_140 = tpu.vector_load %arg5[%get3A_139] {strides = array<i32>} : memref<512xi32, #tpu.memory_space<vmem>>, vector<16xi32>,
    %get3A_141 = vector.shape_cast %get3A_140 : vector<16xi32> to vector<16xi32>
    %max3A_142 = arith.constant -8192 : i32
    %max3A_143 = vector.broadcast %max3A_142 : i32 to vector<16xi32>
    %max3A_144 = arith.maxsi %get3A_141, %max3A_143 : vector<16xi32>
    %min3A_145 = arith.constant 8191 : i32
    %min3A_146 = vector.broadcast %min3A_145 : i32 to vector<16xi32>
    %min3A_147 = arith.minsi %max3A_144, %min3A_146 : vector<16xi32>
    %add3A_148 = arith.constant 8192 : i32
    %add3A_149 = vector.broadcast %add3A_148 : i32 to vector<16xi32>
    %add3A_150 = arith.addi %min3A_147, %add3A_149 : vector<16xi32>
    %swap3A_151 = arith.constant 112 : index
    %swap3A_152 = tpu.vector_load %arg5[%swap3A_151] {strides = array<i32>} : memref<512xi32, #tpu.memory_space<vmem>>, vector<16xi32>,
    %swap3A_153 = vector.shape_cast %swap3A_152 : vector<16xi32> to vector<16xi32>
    %swap3A_154 = vector.shape_cast %add3A_150 : vector<16xi32> to vector<16xi32>
    tpu.vector_store %arg5[%swap3A_151], %swap3A_154 {strides = array<i32>} : memref<512xi32, #tpu.memory_space<vmem>>, vector<16xi32>,
    %dma_start3A_155 = arith.constant 96 : i32
    %dma_start3A_156 = tpu.memref_slice %arg5[%dma_start3A_155] : memref<512xi32, #tpu.memory_space<vmem>> -> memref<32xi32, #tpu.memory_space<vmem>>
    %dma_start3A_157 = arith.constant 0 : i32
    %dma_start3A_158 = arith.constant 0 : i32
    %dma_start3A_159 = tpu.memref_slice %arg3[%dma_start3A_157, %dma_start3A_158] : memref<16384x768xf32, #tpu.memory_space<hbm>> -> memref<16384x768xf32, #tpu.memory_space<hbm>>
    tpu.enqueue_indirect_dma source(%dma_start3A_159 : memref<16384x768xf32, #tpu.memory_space<hbm>>) target(%arg9 : memref<32x768xf32, #tpu.memory_space<vmem>>) offsets(%dma_start3A_156 : memref<32xi32, #tpu.memory_space<vmem>>) semaphore(%arg16 : memref<!tpu.dma_semaphore, #tpu.memory_space<semaphore_mem>>)
    %dma_wait3A_160 = arith.constant 32 : i32
    %dma_wait3A_161 = tpu.memref_slice %arg5[%dma_wait3A_160] : memref<512xi32, #tpu.memory_space<vmem>> -> memref<32xi32, #tpu.memory_space<vmem>>
    %dma_wait3A_162 = arith.constant 0 : i32
    %dma_wait3A_163 = arith.constant 0 : i32
    %dma_wait3A_164 = tpu.memref_slice %arg3[%dma_wait3A_162, %dma_wait3A_163] : memref<16384x768xf32, #tpu.memory_space<hbm>> -> memref<16384x768xf32, #tpu.memory_space<hbm>>
    tpu.wait_indirect_dma semaphore(%arg14 : memref<!tpu.dma_semaphore, #tpu.memory_space<semaphore_mem>>) src(%dma_wait3A_164 : memref<16384x768xf32, #tpu.memory_space<hbm>>) dst(%arg7 : memref<32x768xf32, #tpu.memory_space<vmem>>)
    %add3A_165 = arith.constant 32 : i32
    %add3A_166 = arith.addi %multiple_of3A, %add3A_165 : i32
    %dma_start3A_167 = arith.constant 0 : i32
    %dma_start3A_168 = tpu.memref_slice %arg4[%add3A_166, %dma_start3A_167] : memref<16383x768xf32, #tpu.memory_space<hbm>> -> memref<32x768xf32, #tpu.memory_space<hbm>>
    %dma_start3A_169 = arith.constant 0 : i32
    %dma_start3A_170 = tpu.memref_slice %arg4[%add3A_166, %dma_start3A_169] : memref<16383x768xf32, #tpu.memory_space<hbm>> -> memref<32x768xf32, #tpu.memory_space<hbm>>
    tpu.enqueue_dma source(%arg7 : memref<32x768xf32, #tpu.memory_space<vmem>>) target(%dma_start3A_170 : memref<32x768xf32, #tpu.memory_space<hbm>>) target_semaphore(%arg18 : memref<!tpu.dma_semaphore, #tpu.memory_space<semaphore_mem>>)
    %dma_wait3A_171 = arith.constant 0 : i32
    %dma_wait3A_172 = tpu.memref_slice %arg4[%add3A_118, %dma_wait3A_171] : memref<16383x768xf32, #tpu.memory_space<hbm>> -> memref<32x768xf32, #tpu.memory_space<hbm>>
    %dma_wait3A_173 = arith.constant 0 : i32
    %dma_wait3A_174 = tpu.memref_slice %arg4[%add3A_118, %dma_wait3A_173] : memref<16383x768xf32, #tpu.memory_space<hbm>> -> memref<32x768xf32, #tpu.memory_space<hbm>>
    tpu.wait_dma2 semaphore(%arg17 : memref<!tpu.dma_semaphore, #tpu.memory_space<semaphore_mem>>) src(%arg6 : memref<32x768xf32, #tpu.memory_space<vmem>>) dst(%dma_wait3A_174 : memref<32x768xf32, #tpu.memory_space<hbm>>)
    %get3A_175 = arith.constant 128 : index
    %get3A_176 = tpu.vector_load %arg5[%get3A_175] {strides = array<i32>} : memref<512xi32, #tpu.memory_space<vmem>>, vector<16xi32>,
    %get3A_177 = vector.shape_cast %get3A_176 : vector<16xi32> to vector<16xi32>
    %max3A_178 = arith.constant -8192 : i32
    %max3A_179 = vector.broadcast %max3A_178 : i32 to vector<16xi32>
    %max3A_180 = arith.maxsi %get3A_177, %max3A_179 : vector<16xi32>
    %min3A_181 = arith.constant 8191 : i32
    %min3A_182 = vector.broadcast %min3A_181 : i32 to vector<16xi32>
    %min3A_183 = arith.minsi %max3A_180, %min3A_182 : vector<16xi32>
    %add3A_184 = arith.constant 8192 : i32
    %add3A_185 = vector.broadcast %add3A_184 : i32 to vector<16xi32>
    %add3A_186 = arith.addi %min3A_183, %add3A_185 : vector<16xi32>
    %swap3A_187 = arith.constant 128 : index
    %swap3A_188 = tpu.vector_load %arg5[%swap3A_187] {strides = array<i32>} : memref<512xi32, #tpu.memory_space<vmem>>, vector<16xi32>,
    %swap3A_189 = vector.shape_cast %swap3A_188 : vector<16xi32> to vector<16xi32>
    %swap3A_190 = vector.shape_cast %add3A_186 : vector<16xi32> to vector<16xi32>
    tpu.vector_store %arg5[%swap3A_187], %swap3A_190 {strides = array<i32>} : memref<512xi32, #tpu.memory_space<vmem>>, vector<16xi32>,
    %get3A_191 = arith.constant 144 : index
    %get3A_192 = tpu.vector_load %arg5[%get3A_191] {strides = array<i32>} : memref<512xi32, #tpu.memory_space<vmem>>, vector<16xi32>,
    %get3A_193 = vector.shape_cast %get3A_192 : vector<16xi32> to vector<16xi32>
    %max3A_194 = arith.constant -8192 : i32
    %max3A_195 = vector.broadcast %max3A_194 : i32 to vector<16xi32>
    %max3A_196 = arith.maxsi %get3A_193, %max3A_195 : vector<16xi32>
    %min3A_197 = arith.constant 8191 : i32
    %min3A_198 = vector.broadcast %min3A_197 : i32 to vector<16xi32>
    %min3A_199 = arith.minsi %max3A_196, %min3A_198 : vector<16xi32>
    %add3A_200 = arith.constant 8192 : i32
    %add3A_201 = vector.broadcast %add3A_200 : i32 to vector<16xi32>
    %add3A_202 = arith.addi %min3A_199, %add3A_201 : vector<16xi32>
    %swap3A_203 = arith.constant 144 : index
    %swap3A_204 = tpu.vector_load %arg5[%swap3A_203] {strides = array<i32>} : memref<512xi32, #tpu.memory_space<vmem>>, vector<16xi32>,
    %swap3A_205 = vector.shape_cast %swap3A_204 : vector<16xi32> to vector<16xi32>
    %swap3A_206 = vector.shape_cast %add3A_202 : vector<16xi32> to vector<16xi32>
    tpu.vector_store %arg5[%swap3A_203], %swap3A_206 {strides = array<i32>} : memref<512xi32, #tpu.memory_space<vmem>>, vector<16xi32>,
    %dma_start3A_207 = arith.constant 128 : i32
    %dma_start3A_208 = tpu.memref_slice %arg5[%dma_start3A_207] : memref<512xi32, #tpu.memory_space<vmem>> -> memref<32xi32, #tpu.memory_space<vmem>>
    %dma_start3A_209 = arith.constant 0 : i32
    %dma_start3A_210 = arith.constant 0 : i32
    %dma_start3A_211 = tpu.memref_slice %arg3[%dma_start3A_209, %dma_start3A_210] : memref<16384x768xf32, #tpu.memory_space<hbm>> -> memref<16384x768xf32, #tpu.memory_space<hbm>>
    tpu.enqueue_indirect_dma source(%dma_start3A_211 : memref<16384x768xf32, #tpu.memory_space<hbm>>) target(%arg6 : memref<32x768xf32, #tpu.memory_space<vmem>>) offsets(%dma_start3A_208 : memref<32xi32, #tpu.memory_space<vmem>>) semaphore(%arg13 : memref<!tpu.dma_semaphore, #tpu.memory_space<semaphore_mem>>)
    %dma_wait3A_212 = arith.constant 64 : i32
    %dma_wait3A_213 = tpu.memref_slice %arg5[%dma_wait3A_212] : memref<512xi32, #tpu.memory_space<vmem>> -> memref<32xi32, #tpu.memory_space<vmem>>
    %dma_wait3A_214 = arith.constant 0 : i32
    %dma_wait3A_215 = arith.constant 0 : i32
    %dma_wait3A_216 = tpu.memref_slice %arg3[%dma_wait3A_214, %dma_wait3A_215] : memref<16384x768xf32, #tpu.memory_space<hbm>> -> memref<16384x768xf32, #tpu.memory_space<hbm>>
    tpu.wait_indirect_dma semaphore(%arg15 : memref<!tpu.dma_semaphore, #tpu.memory_space<semaphore_mem>>) src(%dma_wait3A_216 : memref<16384x768xf32, #tpu.memory_space<hbm>>) dst(%arg8 : memref<32x768xf32, #tpu.memory_space<vmem>>)
    %add3A_217 = arith.constant 64 : i32
    %add3A_218 = arith.addi %multiple_of3A, %add3A_217 : i32
    %dma_start3A_219 = arith.constant 0 : i32
    %dma_start3A_220 = tpu.memref_slice %arg4[%add3A_218, %dma_start3A_219] : memref<16383x768xf32, #tpu.memory_space<hbm>> -> memref<32x768xf32, #tpu.memory_space<hbm>>
    %dma_start3A_221 = arith.constant 0 : i32
    %dma_start3A_222 = tpu.memref_slice %arg4[%add3A_218, %dma_start3A_221] : memref<16383x768xf32, #tpu.memory_space<hbm>> -> memref<32x768xf32, #tpu.memory_space<hbm>>
    tpu.enqueue_dma source(%arg8 : memref<32x768xf32, #tpu.memory_space<vmem>>) target(%dma_start3A_222 : memref<32x768xf32, #tpu.memory_space<hbm>>) target_semaphore(%arg19 : memref<!tpu.dma_semaphore, #tpu.memory_space<semaphore_mem>>)
    %dma_wait3A_223 = arith.constant 0 : i32
    %dma_wait3A_224 = tpu.memref_slice %arg4[%add3A_166, %dma_wait3A_223] : memref<16383x768xf32, #tpu.memory_space<hbm>> -> memref<32x768xf32, #tpu.memory_space<hbm>>
    %dma_wait3A_225 = arith.constant 0 : i32
    %dma_wait3A_226 = tpu.memref_slice %arg4[%add3A_166, %dma_wait3A_225] : memref<16383x768xf32, #tpu.memory_space<hbm>> -> memref<32x768xf32, #tpu.memory_space<hbm>>
    tpu.wait_dma2 semaphore(%arg18 : memref<!tpu.dma_semaphore, #tpu.memory_space<semaphore_mem>>) src(%arg7 : memref<32x768xf32, #tpu.memory_space<vmem>>) dst(%dma_wait3A_226 : memref<32x768xf32, #tpu.memory_space<hbm>>)
    %get3A_227 = arith.constant 160 : index
    %get3A_228 = tpu.vector_load %arg5[%get3A_227] {strides = array<i32>} : memref<512xi32, #tpu.memory_space<vmem>>, vector<16xi32>,
    %get3A_229 = vector.shape_cast %get3A_228 : vector<16xi32> to vector<16xi32>
    %max3A_230 = arith.constant -8192 : i32
    %max3A_231 = vector.broadcast %max3A_230 : i32 to vector<16xi32>
    %max3A_232 = arith.maxsi %get3A_229, %max3A_231 : vector<16xi32>
    %min3A_233 = arith.constant 8191 : i32
    %min3A_234 = vector.broadcast %min3A_233 : i32 to vector<16xi32>
    %min3A_235 = arith.minsi %max3A_232, %min3A_234 : vector<16xi32>
    %add3A_236 = arith.constant 8192 : i32
    %add3A_237 = vector.broadcast %add3A_236 : i32 to vector<16xi32>
    %add3A_238 = arith.addi %min3A_235, %add3A_237 : vector<16xi32>
    %swap3A_239 = arith.constant 160 : index
    %swap3A_240 = tpu.vector_load %arg5[%swap3A_239] {strides = array<i32>} : memref<512xi32, #tpu.memory_space<vmem>>, vector<16xi32>,
    %swap3A_241 = vector.shape_cast %swap3A_240 : vector<16xi32> to vector<16xi32>
    %swap3A_242 = vector.shape_cast %add3A_238 : vector<16xi32> to vector<16xi32>
    tpu.vector_store %arg5[%swap3A_239], %swap3A_242 {strides = array<i32>} : memref<512xi32, #tpu.memory_space<vmem>>, vector<16xi32>,
    %get3A_243 = arith.constant 176 : index
    %get3A_244 = tpu.vector_load %arg5[%get3A_243] {strides = array<i32>} : memref<512xi32, #tpu.memory_space<vmem>>, vector<16xi32>,
    %get3A_245 = vector.shape_cast %get3A_244 : vector<16xi32> to vector<16xi32>
    %max3A_246 = arith.constant -8192 : i32
    %max3A_247 = vector.broadcast %max3A_246 : i32 to vector<16xi32>
    %max3A_248 = arith.maxsi %get3A_245, %max3A_247 : vector<16xi32>
    %min3A_249 = arith.constant 8191 : i32
    %min3A_250 = vector.broadcast %min3A_249 : i32 to vector<16xi32>
    %min3A_251 = arith.minsi %max3A_248, %min3A_250 : vector<16xi32>
    %add3A_252 = arith.constant 8192 : i32
    %add3A_253 = vector.broadcast %add3A_252 : i32 to vector<16xi32>
    %add3A_254 = arith.addi %min3A_251, %add3A_253 : vector<16xi32>
    %swap3A_255 = arith.constant 176 : index
    %swap3A_256 = tpu.vector_load %arg5[%swap3A_255] {strides = array<i32>} : memref<512xi32, #tpu.memory_space<vmem>>, vector<16xi32>,
    %swap3A_257 = vector.shape_cast %swap3A_256 : vector<16xi32> to vector<16xi32>
    %swap3A_258 = vector.shape_cast %add3A_254 : vector<16xi32> to vector<16xi32>
    tpu.vector_store %arg5[%swap3A_255], %swap3A_258 {strides = array<i32>} : memref<512xi32, #tpu.memory_space<vmem>>, vector<16xi32>,
    %dma_start3A_259 = arith.constant 160 : i32
    %dma_start3A_260 = tpu.memref_slice %arg5[%dma_start3A_259] : memref<512xi32, #tpu.memory_space<vmem>> -> memref<32xi32, #tpu.memory_space<vmem>>
    %dma_start3A_261 = arith.constant 0 : i32
    %dma_start3A_262 = arith.constant 0 : i32
    %dma_start3A_263 = tpu.memref_slice %arg3[%dma_start3A_261, %dma_start3A_262] : memref<16384x768xf32, #tpu.memory_space<hbm>> -> memref<16384x768xf32, #tpu.memory_space<hbm>>
    tpu.enqueue_indirect_dma source(%dma_start3A_263 : memref<16384x768xf32, #tpu.memory_space<hbm>>) target(%arg7 : memref<32x768xf32, #tpu.memory_space<vmem>>) offsets(%dma_start3A_260 : memref<32xi32, #tpu.memory_space<vmem>>) semaphore(%arg14 : memref<!tpu.dma_semaphore, #tpu.memory_space<semaphore_mem>>)
    %dma_wait3A_264 = arith.constant 96 : i32
    %dma_wait3A_265 = tpu.memref_slice %arg5[%dma_wait3A_264] : memref<512xi32, #tpu.memory_space<vmem>> -> memref<32xi32, #tpu.memory_space<vmem>>
    %dma_wait3A_266 = arith.constant 0 : i32
    %dma_wait3A_267 = arith.constant 0 : i32
    %dma_wait3A_268 = tpu.memref_slice %arg3[%dma_wait3A_266, %dma_wait3A_267] : memref<16384x768xf32, #tpu.memory_space<hbm>> -> memref<16384x768xf32, #tpu.memory_space<hbm>>
    tpu.wait_indirect_dma semaphore(%arg16 : memref<!tpu.dma_semaphore, #tpu.memory_space<semaphore_mem>>) src(%dma_wait3A_268 : memref<16384x768xf32, #tpu.memory_space<hbm>>) dst(%arg9 : memref<32x768xf32, #tpu.memory_space<vmem>>)
    %add3A_269 = arith.constant 96 : i32
    %add3A_270 = arith.addi %multiple_of3A, %add3A_269 : i32
    %dma_start3A_271 = arith.constant 0 : i32
    %dma_start3A_272 = tpu.memref_slice %arg4[%add3A_270, %dma_start3A_271] : memref<16383x768xf32, #tpu.memory_space<hbm>> -> memref<32x768xf32, #tpu.memory_space<hbm>>
    %dma_start3A_273 = arith.constant 0 : i32
    %dma_start3A_274 = tpu.memref_slice %arg4[%add3A_270, %dma_start3A_273] : memref<16383x768xf32, #tpu.memory_space<hbm>> -> memref<32x768xf32, #tpu.memory_space<hbm>>
    tpu.enqueue_dma source(%arg9 : memref<32x768xf32, #tpu.memory_space<vmem>>) target(%dma_start3A_274 : memref<32x768xf32, #tpu.memory_space<hbm>>) target_semaphore(%arg20 : memref<!tpu.dma_semaphore, #tpu.memory_space<semaphore_mem>>)
    %dma_wait3A_275 = arith.constant 0 : i32
    %dma_wait3A_276 = tpu.memref_slice %arg4[%add3A_218, %dma_wait3A_275] : memref<16383x768xf32, #tpu.memory_space<hbm>> -> memref<32x768xf32, #tpu.memory_space<hbm>>
    %dma_wait3A_277 = arith.constant 0 : i32
    %dma_wait3A_278 = tpu.memref_slice %arg4[%add3A_218, %dma_wait3A_277] : memref<16383x768xf32, #tpu.memory_space<hbm>> -> memref<32x768xf32, #tpu.memory_space<hbm>>
    tpu.wait_dma2 semaphore(%arg19 : memref<!tpu.dma_semaphore, #tpu.memory_space<semaphore_mem>>) src(%arg8 : memref<32x768xf32, #tpu.memory_space<vmem>>) dst(%dma_wait3A_278 : memref<32x768xf32, #tpu.memory_space<hbm>>)
    %get3A_279 = arith.constant 192 : index
    %get3A_280 = tpu.vector_load %arg5[%get3A_279] {strides = array<i32>} : memref<512xi32, #tpu.memory_space<vmem>>, vector<16xi32>,
    %get3A_281 = vector.shape_cast %get3A_280 : vector<16xi32> to vector<16xi32>
    %max3A_282 = arith.constant -8192 : i32
    %max3A_283 = vector.broadcast %max3A_282 : i32 to vector<16xi32>
    %max3A_284 = arith.maxsi %get3A_281, %max3A_283 : vector<16xi32>
    %min3A_285 = arith.constant 8191 : i32
    %min3A_286 = vector.broadcast %min3A_285 : i32 to vector<16xi32>
    %min3A_287 = arith.minsi %max3A_284, %min3A_286 : vector<16xi32>
    %add3A_288 = arith.constant 8192 : i32
    %add3A_289 = vector.broadcast %add3A_288 : i32 to vector<16xi32>
    %add3A_290 = arith.addi %min3A_287, %add3A_289 : vector<16xi32>
    %swap3A_291 = arith.constant 192 : index
    %swap3A_292 = tpu.vector_load %arg5[%swap3A_291] {strides = array<i32>} : memref<512xi32, #tpu.memory_space<vmem>>, vector<16xi32>,
    %swap3A_293 = vector.shape_cast %swap3A_292 : vector<16xi32> to vector<16xi32>
    %swap3A_294 = vector.shape_cast %add3A_290 : vector<16xi32> to vector<16xi32>
    tpu.vector_store %arg5[%swap3A_291], %swap3A_294 {strides = array<i32>} : memref<512xi32, #tpu.memory_space<vmem>>, vector<16xi32>,
    %get3A_295 = arith.constant 208 : index
    %get3A_296 = tpu.vector_load %arg5[%get3A_295] {strides = array<i32>} : memref<512xi32, #tpu.memory_space<vmem>>, vector<16xi32>,
    %get3A_297 = vector.shape_cast %get3A_296 : vector<16xi32> to vector<16xi32>
    %max3A_298 = arith.constant -8192 : i32
    %max3A_299 = vector.broadcast %max3A_298 : i32 to vector<16xi32>
    %max3A_300 = arith.maxsi %get3A_297, %max3A_299 : vector<16xi32>
    %min3A_301 = arith.constant 8191 : i32
    %min3A_302 = vector.broadcast %min3A_301 : i32 to vector<16xi32>
    %min3A_303 = arith.minsi %max3A_300, %min3A_302 : vector<16xi32>
    %add3A_304 = arith.constant 8192 : i32
    %add3A_305 = vector.broadcast %add3A_304 : i32 to vector<16xi32>
    %add3A_306 = arith.addi %min3A_303, %add3A_305 : vector<16xi32>
    %swap3A_307 = arith.constant 208 : index
    %swap3A_308 = tpu.vector_load %arg5[%swap3A_307] {strides = array<i32>} : memref<512xi32, #tpu.memory_space<vmem>>, vector<16xi32>,
    %swap3A_309 = vector.shape_cast %swap3A_308 : vector<16xi32> to vector<16xi32>
    %swap3A_310 = vector.shape_cast %add3A_306 : vector<16xi32> to vector<16xi32>
    tpu.vector_store %arg5[%swap3A_307], %swap3A_310 {strides = array<i32>} : memref<512xi32, #tpu.memory_space<vmem>>, vector<16xi32>,
    %dma_start3A_311 = arith.constant 192 : i32
    %dma_start3A_312 = tpu.memref_slice %arg5[%dma_start3A_311] : memref<512xi32, #tpu.memory_space<vmem>> -> memref<32xi32, #tpu.memory_space<vmem>>
    %dma_start3A_313 = arith.constant 0 : i32
    %dma_start3A_314 = arith.constant 0 : i32
    %dma_start3A_315 = tpu.memref_slice %arg3[%dma_start3A_313, %dma_start3A_314] : memref<16384x768xf32, #tpu.memory_space<hbm>> -> memref<16384x768xf32, #tpu.memory_space<hbm>>
    tpu.enqueue_indirect_dma source(%dma_start3A_315 : memref<16384x768xf32, #tpu.memory_space<hbm>>) target(%arg8 : memref<32x768xf32, #tpu.memory_space<vmem>>) offsets(%dma_start3A_312 : memref<32xi32, #tpu.memory_space<vmem>>) semaphore(%arg15 : memref<!tpu.dma_semaphore, #tpu.memory_space<semaphore_mem>>)
    %dma_wait3A_316 = arith.constant 128 : i32
    %dma_wait3A_317 = tpu.memref_slice %arg5[%dma_wait3A_316] : memref<512xi32, #tpu.memory_space<vmem>> -> memref<32xi32, #tpu.memory_space<vmem>>
    %dma_wait3A_318 = arith.constant 0 : i32
    %dma_wait3A_319 = arith.constant 0 : i32
    %dma_wait3A_320 = tpu.memref_slice %arg3[%dma_wait3A_318, %dma_wait3A_319] : memref<16384x768xf32, #tpu.memory_space<hbm>> -> memref<16384x768xf32, #tpu.memory_space<hbm>>
    tpu.wait_indirect_dma semaphore(%arg13 : memref<!tpu.dma_semaphore, #tpu.memory_space<semaphore_mem>>) src(%dma_wait3A_320 : memref<16384x768xf32, #tpu.memory_space<hbm>>) dst(%arg6 : memref<32x768xf32, #tpu.memory_space<vmem>>)
    %add3A_321 = arith.constant 128 : i32
    %add3A_322 = arith.addi %multiple_of3A, %add3A_321 : i32
    %dma_start3A_323 = arith.constant 0 : i32
    %dma_start3A_324 = tpu.memref_slice %arg4[%add3A_322, %dma_start3A_323] : memref<16383x768xf32, #tpu.memory_space<hbm>> -> memref<32x768xf32, #tpu.memory_space<hbm>>
    %dma_start3A_325 = arith.constant 0 : i32
    %dma_start3A_326 = tpu.memref_slice %arg4[%add3A_322, %dma_start3A_325] : memref<16383x768xf32, #tpu.memory_space<hbm>> -> memref<32x768xf32, #tpu.memory_space<hbm>>
    tpu.enqueue_dma source(%arg6 : memref<32x768xf32, #tpu.memory_space<vmem>>) target(%dma_start3A_326 : memref<32x768xf32, #tpu.memory_space<hbm>>) target_semaphore(%arg17 : memref<!tpu.dma_semaphore, #tpu.memory_space<semaphore_mem>>)
    %dma_wait3A_327 = arith.constant 0 : i32
    %dma_wait3A_328 = tpu.memref_slice %arg4[%add3A_270, %dma_wait3A_327] : memref<16383x768xf32, #tpu.memory_space<hbm>> -> memref<32x768xf32, #tpu.memory_space<hbm>>
    %dma_wait3A_329 = arith.constant 0 : i32
    %dma_wait3A_330 = tpu.memref_slice %arg4[%add3A_270, %dma_wait3A_329] : memref<16383x768xf32, #tpu.memory_space<hbm>> -> memref<32x768xf32, #tpu.memory_space<hbm>>
    tpu.wait_dma2 semaphore(%arg20 : memref<!tpu.dma_semaphore, #tpu.memory_space<semaphore_mem>>) src(%arg9 : memref<32x768xf32, #tpu.memory_space<vmem>>) dst(%dma_wait3A_330 : memref<32x768xf32, #tpu.memory_space<hbm>>)
    %get3A_331 = arith.constant 224 : index
    %get3A_332 = tpu.vector_load %arg5[%get3A_331] {strides = array<i32>} : memref<512xi32, #tpu.memory_space<vmem>>, vector<16xi32>,
    %get3A_333 = vector.shape_cast %get3A_332 : vector<16xi32> to vector<16xi32>
    %max3A_334 = arith.constant -8192 : i32
    %max3A_335 = vector.broadcast %max3A_334 : i32 to vector<16xi32>
    %max3A_336 = arith.maxsi %get3A_333, %max3A_335 : vector<16xi32>
    %min3A_337 = arith.constant 8191 : i32
    %min3A_338 = vector.broadcast %min3A_337 : i32 to vector<16xi32>
    %min3A_339 = arith.minsi %max3A_336, %min3A_338 : vector<16xi32>
    %add3A_340 = arith.constant 8192 : i32
    %add3A_341 = vector.broadcast %add3A_340 : i32 to vector<16xi32>
    %add3A_342 = arith.addi %min3A_339, %add3A_341 : vector<16xi32>
    %swap3A_343 = arith.constant 224 : index
    %swap3A_344 = tpu.vector_load %arg5[%swap3A_343] {strides = array<i32>} : memref<512xi32, #tpu.memory_space<vmem>>, vector<16xi32>,
    %swap3A_345 = vector.shape_cast %swap3A_344 : vector<16xi32> to vector<16xi32>
    %swap3A_346 = vector.shape_cast %add3A_342 : vector<16xi32> to vector<16xi32>
    tpu.vector_store %arg5[%swap3A_343], %swap3A_346 {strides = array<i32>} : memref<512xi32, #tpu.memory_space<vmem>>, vector<16xi32>,
    %get3A_347 = arith.constant 240 : index
    %get3A_348 = tpu.vector_load %arg5[%get3A_347] {strides = array<i32>} : memref<512xi32, #tpu.memory_space<vmem>>, vector<16xi32>,
    %get3A_349 = vector.shape_cast %get3A_348 : vector<16xi32> to vector<16xi32>
    %max3A_350 = arith.constant -8192 : i32
    %max3A_351 = vector.broadcast %max3A_350 : i32 to vector<16xi32>
    %max3A_352 = arith.maxsi %get3A_349, %max3A_351 : vector<16xi32>
    %min3A_353 = arith.constant 8191 : i32
    %min3A_354 = vector.broadcast %min3A_353 : i32 to vector<16xi32>
    %min3A_355 = arith.minsi %max3A_352, %min3A_354 : vector<16xi32>
    %add3A_356 = arith.constant 8192 : i32
    %add3A_357 = vector.broadcast %add3A_356 : i32 to vector<16xi32>
    %add3A_358 = arith.addi %min3A_355, %add3A_357 : vector<16xi32>
    %swap3A_359 = arith.constant 240 : index
    %swap3A_360 = tpu.vector_load %arg5[%swap3A_359] {strides = array<i32>} : memref<512xi32, #tpu.memory_space<vmem>>, vector<16xi32>,
    %swap3A_361 = vector.shape_cast %swap3A_360 : vector<16xi32> to vector<16xi32>
    %swap3A_362 = vector.shape_cast %add3A_358 : vector<16xi32> to vector<16xi32>
    tpu.vector_store %arg5[%swap3A_359], %swap3A_362 {strides = array<i32>} : memref<512xi32, #tpu.memory_space<vmem>>, vector<16xi32>,
    %dma_start3A_363 = arith.constant 224 : i32
    %dma_start3A_364 = tpu.memref_slice %arg5[%dma_start3A_363] : memref<512xi32, #tpu.memory_space<vmem>> -> memref<32xi32, #tpu.memory_space<vmem>>
    %dma_start3A_365 = arith.constant 0 : i32
    %dma_start3A_366 = arith.constant 0 : i32
    %dma_start3A_367 = tpu.memref_slice %arg3[%dma_start3A_365, %dma_start3A_366] : memref<16384x768xf32, #tpu.memory_space<hbm>> -> memref<16384x768xf32, #tpu.memory_space<hbm>>
    tpu.enqueue_indirect_dma source(%dma_start3A_367 : memref<16384x768xf32, #tpu.memory_space<hbm>>) target(%arg9 : memref<32x768xf32, #tpu.memory_space<vmem>>) offsets(%dma_start3A_364 : memref<32xi32, #tpu.memory_space<vmem>>) semaphore(%arg16 : memref<!tpu.dma_semaphore, #tpu.memory_space<semaphore_mem>>)
    %convert_element_type3A_368 = arith.extui %eq3A_4 : i1 to i32
    %cond3A_369 = arith.constant 0 : i32
    %cond3A_370 = arith.cmpi ne, %convert_element_type3A_368, %cond3A_369 : i32
    scf.if %cond3A_370 {
      %dma_wait3A_842 = arith.constant 0 : i32
      %dma_wait3A_843 = tpu.memref_slice %arg2[%dma_wait3A_842] : memref<16383xi32, #tpu.memory_space<hbm>> -> memref<16383xi32, #tpu.memory_space<hbm>>
      tpu.wait_indirect_dma semaphore(%arg21 : memref<!tpu.dma_semaphore, #tpu.memory_space<semaphore_mem>>) src(%dma_wait3A_843 : memref<16383xi32, #tpu.memory_space<hbm>>) dst(%arg11 : memref<16xi32, #tpu.memory_space<vmem>>)
      %get3A_844 = arith.constant 0 : index
      %get3A_845 = tpu.vector_load %arg11[%get3A_844] {strides = array<i32>} : memref<16xi32, #tpu.memory_space<vmem>>, vector<16xi32>,
      %get3A_846 = vector.shape_cast %get3A_845 : vector<16xi32> to vector<16xi32>
      %max3A_847 = arith.constant -8192 : i32
      %max3A_848 = vector.broadcast %max3A_847 : i32 to vector<16xi32>
      %max3A_849 = arith.maxsi %get3A_846, %max3A_848 : vector<16xi32>
      %min3A_850 = arith.constant 8191 : i32
      %min3A_851 = vector.broadcast %min3A_850 : i32 to vector<16xi32>
      %min3A_852 = arith.minsi %max3A_849, %min3A_851 : vector<16xi32>
      %add3A_853 = arith.constant 8192 : i32
      %add3A_854 = vector.broadcast %add3A_853 : i32 to vector<16xi32>
      %add3A_855 = arith.addi %min3A_852, %add3A_854 : vector<16xi32>
      %swap3A_856 = arith.constant 0 : index
      %swap3A_857 = tpu.vector_load %arg11[%swap3A_856] {strides = array<i32>} : memref<16xi32, #tpu.memory_space<vmem>>, vector<16xi32>,
      %swap3A_858 = vector.shape_cast %swap3A_857 : vector<16xi32> to vector<16xi32>
      %swap3A_859 = vector.shape_cast %add3A_855 : vector<16xi32> to vector<16xi32>
      tpu.vector_store %arg11[%swap3A_856], %swap3A_859 {strides = array<i32>} : memref<16xi32, #tpu.memory_space<vmem>>, vector<16xi32>,
      %dma_start3A_860 = arith.constant 0 : i32
      %dma_start3A_861 = arith.constant 0 : i32
      %dma_start3A_862 = tpu.memref_slice %arg3[%dma_start3A_860, %dma_start3A_861] : memref<16384x768xf32, #tpu.memory_space<hbm>> -> memref<16384x768xf32, #tpu.memory_space<hbm>>
      tpu.enqueue_indirect_dma source(%dma_start3A_862 : memref<16384x768xf32, #tpu.memory_space<hbm>>) target(%arg12 : memref<16x768xf32, #tpu.memory_space<vmem>>) offsets(%arg11 : memref<16xi32, #tpu.memory_space<vmem>>) semaphore(%arg21 : memref<!tpu.dma_semaphore, #tpu.memory_space<semaphore_mem>>)
    } else {
    }
    %dma_wait3A_371 = arith.constant 160 : i32
    %dma_wait3A_372 = tpu.memref_slice %arg5[%dma_wait3A_371] : memref<512xi32, #tpu.memory_space<vmem>> -> memref<32xi32, #tpu.memory_space<vmem>>
    %dma_wait3A_373 = arith.constant 0 : i32
    %dma_wait3A_374 = arith.constant 0 : i32
    %dma_wait3A_375 = tpu.memref_slice %arg3[%dma_wait3A_373, %dma_wait3A_374] : memref<16384x768xf32, #tpu.memory_space<hbm>> -> memref<16384x768xf32, #tpu.memory_space<hbm>>
    tpu.wait_indirect_dma semaphore(%arg14 : memref<!tpu.dma_semaphore, #tpu.memory_space<semaphore_mem>>) src(%dma_wait3A_375 : memref<16384x768xf32, #tpu.memory_space<hbm>>) dst(%arg7 : memref<32x768xf32, #tpu.memory_space<vmem>>)
    %add3A_376 = arith.constant 160 : i32
    %add3A_377 = arith.addi %multiple_of3A, %add3A_376 : i32
    %dma_start3A_378 = arith.constant 0 : i32
    %dma_start3A_379 = tpu.memref_slice %arg4[%add3A_377, %dma_start3A_378] : memref<16383x768xf32, #tpu.memory_space<hbm>> -> memref<32x768xf32, #tpu.memory_space<hbm>>
    %dma_start3A_380 = arith.constant 0 : i32
    %dma_start3A_381 = tpu.memref_slice %arg4[%add3A_377, %dma_start3A_380] : memref<16383x768xf32, #tpu.memory_space<hbm>> -> memref<32x768xf32, #tpu.memory_space<hbm>>
    tpu.enqueue_dma source(%arg7 : memref<32x768xf32, #tpu.memory_space<vmem>>) target(%dma_start3A_381 : memref<32x768xf32, #tpu.memory_space<hbm>>) target_semaphore(%arg18 : memref<!tpu.dma_semaphore, #tpu.memory_space<semaphore_mem>>)
    %dma_wait3A_382 = arith.constant 0 : i32
    %dma_wait3A_383 = tpu.memref_slice %arg4[%add3A_322, %dma_wait3A_382] : memref<16383x768xf32, #tpu.memory_space<hbm>> -> memref<32x768xf32, #tpu.memory_space<hbm>>
    %dma_wait3A_384 = arith.constant 0 : i32
    %dma_wait3A_385 = tpu.memref_slice %arg4[%add3A_322, %dma_wait3A_384] : memref<16383x768xf32, #tpu.memory_space<hbm>> -> memref<32x768xf32, #tpu.memory_space<hbm>>
    tpu.wait_dma2 semaphore(%arg17 : memref<!tpu.dma_semaphore, #tpu.memory_space<semaphore_mem>>) src(%arg6 : memref<32x768xf32, #tpu.memory_space<vmem>>) dst(%dma_wait3A_385 : memref<32x768xf32, #tpu.memory_space<hbm>>)
    %get3A_386 = arith.constant 256 : index
    %get3A_387 = tpu.vector_load %arg5[%get3A_386] {strides = array<i32>} : memref<512xi32, #tpu.memory_space<vmem>>, vector<16xi32>,
    %get3A_388 = vector.shape_cast %get3A_387 : vector<16xi32> to vector<16xi32>
    %max3A_389 = arith.constant -8192 : i32
    %max3A_390 = vector.broadcast %max3A_389 : i32 to vector<16xi32>
    %max3A_391 = arith.maxsi %get3A_388, %max3A_390 : vector<16xi32>
    %min3A_392 = arith.constant 8191 : i32
    %min3A_393 = vector.broadcast %min3A_392 : i32 to vector<16xi32>
    %min3A_394 = arith.minsi %max3A_391, %min3A_393 : vector<16xi32>
    %add3A_395 = arith.constant 8192 : i32
    %add3A_396 = vector.broadcast %add3A_395 : i32 to vector<16xi32>
    %add3A_397 = arith.addi %min3A_394, %add3A_396 : vector<16xi32>
    %swap3A_398 = arith.constant 256 : index
    %swap3A_399 = tpu.vector_load %arg5[%swap3A_398] {strides = array<i32>} : memref<512xi32, #tpu.memory_space<vmem>>, vector<16xi32>,
    %swap3A_400 = vector.shape_cast %swap3A_399 : vector<16xi32> to vector<16xi32>
    %swap3A_401 = vector.shape_cast %add3A_397 : vector<16xi32> to vector<16xi32>
    tpu.vector_store %arg5[%swap3A_398], %swap3A_401 {strides = array<i32>} : memref<512xi32, #tpu.memory_space<vmem>>, vector<16xi32>,
    %get3A_402 = arith.constant 272 : index
    %get3A_403 = tpu.vector_load %arg5[%get3A_402] {strides = array<i32>} : memref<512xi32, #tpu.memory_space<vmem>>, vector<16xi32>,
    %get3A_404 = vector.shape_cast %get3A_403 : vector<16xi32> to vector<16xi32>
    %max3A_405 = arith.constant -8192 : i32
    %max3A_406 = vector.broadcast %max3A_405 : i32 to vector<16xi32>
    %max3A_407 = arith.maxsi %get3A_404, %max3A_406 : vector<16xi32>
    %min3A_408 = arith.constant 8191 : i32
    %min3A_409 = vector.broadcast %min3A_408 : i32 to vector<16xi32>
    %min3A_410 = arith.minsi %max3A_407, %min3A_409 : vector<16xi32>
    %add3A_411 = arith.constant 8192 : i32
    %add3A_412 = vector.broadcast %add3A_411 : i32 to vector<16xi32>
    %add3A_413 = arith.addi %min3A_410, %add3A_412 : vector<16xi32>
    %swap3A_414 = arith.constant 272 : index
    %swap3A_415 = tpu.vector_load %arg5[%swap3A_414] {strides = array<i32>} : memref<512xi32, #tpu.memory_space<vmem>>, vector<16xi32>,
    %swap3A_416 = vector.shape_cast %swap3A_415 : vector<16xi32> to vector<16xi32>
    %swap3A_417 = vector.shape_cast %add3A_413 : vector<16xi32> to vector<16xi32>
    tpu.vector_store %arg5[%swap3A_414], %swap3A_417 {strides = array<i32>} : memref<512xi32, #tpu.memory_space<vmem>>, vector<16xi32>,
    %dma_start3A_418 = arith.constant 256 : i32
    %dma_start3A_419 = tpu.memref_slice %arg5[%dma_start3A_418] : memref<512xi32, #tpu.memory_space<vmem>> -> memref<32xi32, #tpu.memory_space<vmem>>
    %dma_start3A_420 = arith.constant 0 : i32
    %dma_start3A_421 = arith.constant 0 : i32
    %dma_start3A_422 = tpu.memref_slice %arg3[%dma_start3A_420, %dma_start3A_421] : memref<16384x768xf32, #tpu.memory_space<hbm>> -> memref<16384x768xf32, #tpu.memory_space<hbm>>
    tpu.enqueue_indirect_dma source(%dma_start3A_422 : memref<16384x768xf32, #tpu.memory_space<hbm>>) target(%arg6 : memref<32x768xf32, #tpu.memory_space<vmem>>) offsets(%dma_start3A_419 : memref<32xi32, #tpu.memory_space<vmem>>) semaphore(%arg13 : memref<!tpu.dma_semaphore, #tpu.memory_space<semaphore_mem>>)
    %dma_wait3A_423 = arith.constant 192 : i32
    %dma_wait3A_424 = tpu.memref_slice %arg5[%dma_wait3A_423] : memref<512xi32, #tpu.memory_space<vmem>> -> memref<32xi32, #tpu.memory_space<vmem>>
    %dma_wait3A_425 = arith.constant 0 : i32
    %dma_wait3A_426 = arith.constant 0 : i32
    %dma_wait3A_427 = tpu.memref_slice %arg3[%dma_wait3A_425, %dma_wait3A_426] : memref<16384x768xf32, #tpu.memory_space<hbm>> -> memref<16384x768xf32, #tpu.memory_space<hbm>>
    tpu.wait_indirect_dma semaphore(%arg15 : memref<!tpu.dma_semaphore, #tpu.memory_space<semaphore_mem>>) src(%dma_wait3A_427 : memref<16384x768xf32, #tpu.memory_space<hbm>>) dst(%arg8 : memref<32x768xf32, #tpu.memory_space<vmem>>)
    %add3A_428 = arith.constant 192 : i32
    %add3A_429 = arith.addi %multiple_of3A, %add3A_428 : i32
    %dma_start3A_430 = arith.constant 0 : i32
    %dma_start3A_431 = tpu.memref_slice %arg4[%add3A_429, %dma_start3A_430] : memref<16383x768xf32, #tpu.memory_space<hbm>> -> memref<32x768xf32, #tpu.memory_space<hbm>>
    %dma_start3A_432 = arith.constant 0 : i32
    %dma_start3A_433 = tpu.memref_slice %arg4[%add3A_429, %dma_start3A_432] : memref<16383x768xf32, #tpu.memory_space<hbm>> -> memref<32x768xf32, #tpu.memory_space<hbm>>
    tpu.enqueue_dma source(%arg8 : memref<32x768xf32, #tpu.memory_space<vmem>>) target(%dma_start3A_433 : memref<32x768xf32, #tpu.memory_space<hbm>>) target_semaphore(%arg19 : memref<!tpu.dma_semaphore, #tpu.memory_space<semaphore_mem>>)
    %dma_wait3A_434 = arith.constant 0 : i32
    %dma_wait3A_435 = tpu.memref_slice %arg4[%add3A_377, %dma_wait3A_434] : memref<16383x768xf32, #tpu.memory_space<hbm>> -> memref<32x768xf32, #tpu.memory_space<hbm>>
    %dma_wait3A_436 = arith.constant 0 : i32
    %dma_wait3A_437 = tpu.memref_slice %arg4[%add3A_377, %dma_wait3A_436] : memref<16383x768xf32, #tpu.memory_space<hbm>> -> memref<32x768xf32, #tpu.memory_space<hbm>>
    tpu.wait_dma2 semaphore(%arg18 : memref<!tpu.dma_semaphore, #tpu.memory_space<semaphore_mem>>) src(%arg7 : memref<32x768xf32, #tpu.memory_space<vmem>>) dst(%dma_wait3A_437 : memref<32x768xf32, #tpu.memory_space<hbm>>)
    %get3A_438 = arith.constant 288 : index
    %get3A_439 = tpu.vector_load %arg5[%get3A_438] {strides = array<i32>} : memref<512xi32, #tpu.memory_space<vmem>>, vector<16xi32>,
    %get3A_440 = vector.shape_cast %get3A_439 : vector<16xi32> to vector<16xi32>
    %max3A_441 = arith.constant -8192 : i32
    %max3A_442 = vector.broadcast %max3A_441 : i32 to vector<16xi32>
    %max3A_443 = arith.maxsi %get3A_440, %max3A_442 : vector<16xi32>
    %min3A_444 = arith.constant 8191 : i32
    %min3A_445 = vector.broadcast %min3A_444 : i32 to vector<16xi32>
    %min3A_446 = arith.minsi %max3A_443, %min3A_445 : vector<16xi32>
    %add3A_447 = arith.constant 8192 : i32
    %add3A_448 = vector.broadcast %add3A_447 : i32 to vector<16xi32>
    %add3A_449 = arith.addi %min3A_446, %add3A_448 : vector<16xi32>
    %swap3A_450 = arith.constant 288 : index
    %swap3A_451 = tpu.vector_load %arg5[%swap3A_450] {strides = array<i32>} : memref<512xi32, #tpu.memory_space<vmem>>, vector<16xi32>,
    %swap3A_452 = vector.shape_cast %swap3A_451 : vector<16xi32> to vector<16xi32>
    %swap3A_453 = vector.shape_cast %add3A_449 : vector<16xi32> to vector<16xi32>
    tpu.vector_store %arg5[%swap3A_450], %swap3A_453 {strides = array<i32>} : memref<512xi32, #tpu.memory_space<vmem>>, vector<16xi32>,
    %get3A_454 = arith.constant 304 : index
    %get3A_455 = tpu.vector_load %arg5[%get3A_454] {strides = array<i32>} : memref<512xi32, #tpu.memory_space<vmem>>, vector<16xi32>,
    %get3A_456 = vector.shape_cast %get3A_455 : vector<16xi32> to vector<16xi32>
    %max3A_457 = arith.constant -8192 : i32
    %max3A_458 = vector.broadcast %max3A_457 : i32 to vector<16xi32>
    %max3A_459 = arith.maxsi %get3A_456, %max3A_458 : vector<16xi32>
    %min3A_460 = arith.constant 8191 : i32
    %min3A_461 = vector.broadcast %min3A_460 : i32 to vector<16xi32>
    %min3A_462 = arith.minsi %max3A_459, %min3A_461 : vector<16xi32>
    %add3A_463 = arith.constant 8192 : i32
    %add3A_464 = vector.broadcast %add3A_463 : i32 to vector<16xi32>
    %add3A_465 = arith.addi %min3A_462, %add3A_464 : vector<16xi32>
    %swap3A_466 = arith.constant 304 : index
    %swap3A_467 = tpu.vector_load %arg5[%swap3A_466] {strides = array<i32>} : memref<512xi32, #tpu.memory_space<vmem>>, vector<16xi32>,
    %swap3A_468 = vector.shape_cast %swap3A_467 : vector<16xi32> to vector<16xi32>
    %swap3A_469 = vector.shape_cast %add3A_465 : vector<16xi32> to vector<16xi32>
    tpu.vector_store %arg5[%swap3A_466], %swap3A_469 {strides = array<i32>} : memref<512xi32, #tpu.memory_space<vmem>>, vector<16xi32>,
    %dma_start3A_470 = arith.constant 288 : i32
    %dma_start3A_471 = tpu.memref_slice %arg5[%dma_start3A_470] : memref<512xi32, #tpu.memory_space<vmem>> -> memref<32xi32, #tpu.memory_space<vmem>>
    %dma_start3A_472 = arith.constant 0 : i32
    %dma_start3A_473 = arith.constant 0 : i32
    %dma_start3A_474 = tpu.memref_slice %arg3[%dma_start3A_472, %dma_start3A_473] : memref<16384x768xf32, #tpu.memory_space<hbm>> -> memref<16384x768xf32, #tpu.memory_space<hbm>>
    tpu.enqueue_indirect_dma source(%dma_start3A_474 : memref<16384x768xf32, #tpu.memory_space<hbm>>) target(%arg7 : memref<32x768xf32, #tpu.memory_space<vmem>>) offsets(%dma_start3A_471 : memref<32xi32, #tpu.memory_space<vmem>>) semaphore(%arg14 : memref<!tpu.dma_semaphore, #tpu.memory_space<semaphore_mem>>)
    %dma_wait3A_475 = arith.constant 224 : i32
    %dma_wait3A_476 = tpu.memref_slice %arg5[%dma_wait3A_475] : memref<512xi32, #tpu.memory_space<vmem>> -> memref<32xi32, #tpu.memory_space<vmem>>
    %dma_wait3A_477 = arith.constant 0 : i32
    %dma_wait3A_478 = arith.constant 0 : i32
    %dma_wait3A_479 = tpu.memref_slice %arg3[%dma_wait3A_477, %dma_wait3A_478] : memref<16384x768xf32, #tpu.memory_space<hbm>> -> memref<16384x768xf32, #tpu.memory_space<hbm>>
    tpu.wait_indirect_dma semaphore(%arg16 : memref<!tpu.dma_semaphore, #tpu.memory_space<semaphore_mem>>) src(%dma_wait3A_479 : memref<16384x768xf32, #tpu.memory_space<hbm>>) dst(%arg9 : memref<32x768xf32, #tpu.memory_space<vmem>>)
    %add3A_480 = arith.constant 224 : i32
    %add3A_481 = arith.addi %multiple_of3A, %add3A_480 : i32
    %dma_start3A_482 = arith.constant 0 : i32
    %dma_start3A_483 = tpu.memref_slice %arg4[%add3A_481, %dma_start3A_482] : memref<16383x768xf32, #tpu.memory_space<hbm>> -> memref<32x768xf32, #tpu.memory_space<hbm>>
    %dma_start3A_484 = arith.constant 0 : i32
    %dma_start3A_485 = tpu.memref_slice %arg4[%add3A_481, %dma_start3A_484] : memref<16383x768xf32, #tpu.memory_space<hbm>> -> memref<32x768xf32, #tpu.memory_space<hbm>>
    tpu.enqueue_dma source(%arg9 : memref<32x768xf32, #tpu.memory_space<vmem>>) target(%dma_start3A_485 : memref<32x768xf32, #tpu.memory_space<hbm>>) target_semaphore(%arg20 : memref<!tpu.dma_semaphore, #tpu.memory_space<semaphore_mem>>)
    %dma_wait3A_486 = arith.constant 0 : i32
    %dma_wait3A_487 = tpu.memref_slice %arg4[%add3A_429, %dma_wait3A_486] : memref<16383x768xf32, #tpu.memory_space<hbm>> -> memref<32x768xf32, #tpu.memory_space<hbm>>
    %dma_wait3A_488 = arith.constant 0 : i32
    %dma_wait3A_489 = tpu.memref_slice %arg4[%add3A_429, %dma_wait3A_488] : memref<16383x768xf32, #tpu.memory_space<hbm>> -> memref<32x768xf32, #tpu.memory_space<hbm>>
    tpu.wait_dma2 semaphore(%arg19 : memref<!tpu.dma_semaphore, #tpu.memory_space<semaphore_mem>>) src(%arg8 : memref<32x768xf32, #tpu.memory_space<vmem>>) dst(%dma_wait3A_489 : memref<32x768xf32, #tpu.memory_space<hbm>>)
    %get3A_490 = arith.constant 320 : index
    %get3A_491 = tpu.vector_load %arg5[%get3A_490] {strides = array<i32>} : memref<512xi32, #tpu.memory_space<vmem>>, vector<16xi32>,
    %get3A_492 = vector.shape_cast %get3A_491 : vector<16xi32> to vector<16xi32>
    %max3A_493 = arith.constant -8192 : i32
    %max3A_494 = vector.broadcast %max3A_493 : i32 to vector<16xi32>
    %max3A_495 = arith.maxsi %get3A_492, %max3A_494 : vector<16xi32>
    %min3A_496 = arith.constant 8191 : i32
    %min3A_497 = vector.broadcast %min3A_496 : i32 to vector<16xi32>
    %min3A_498 = arith.minsi %max3A_495, %min3A_497 : vector<16xi32>
    %add3A_499 = arith.constant 8192 : i32
    %add3A_500 = vector.broadcast %add3A_499 : i32 to vector<16xi32>
    %add3A_501 = arith.addi %min3A_498, %add3A_500 : vector<16xi32>
    %swap3A_502 = arith.constant 320 : index
    %swap3A_503 = tpu.vector_load %arg5[%swap3A_502] {strides = array<i32>} : memref<512xi32, #tpu.memory_space<vmem>>, vector<16xi32>,
    %swap3A_504 = vector.shape_cast %swap3A_503 : vector<16xi32> to vector<16xi32>
    %swap3A_505 = vector.shape_cast %add3A_501 : vector<16xi32> to vector<16xi32>
    tpu.vector_store %arg5[%swap3A_502], %swap3A_505 {strides = array<i32>} : memref<512xi32, #tpu.memory_space<vmem>>, vector<16xi32>,
    %get3A_506 = arith.constant 336 : index
    %get3A_507 = tpu.vector_load %arg5[%get3A_506] {strides = array<i32>} : memref<512xi32, #tpu.memory_space<vmem>>, vector<16xi32>,
    %get3A_508 = vector.shape_cast %get3A_507 : vector<16xi32> to vector<16xi32>
    %max3A_509 = arith.constant -8192 : i32
    %max3A_510 = vector.broadcast %max3A_509 : i32 to vector<16xi32>
    %max3A_511 = arith.maxsi %get3A_508, %max3A_510 : vector<16xi32>
    %min3A_512 = arith.constant 8191 : i32
    %min3A_513 = vector.broadcast %min3A_512 : i32 to vector<16xi32>
    %min3A_514 = arith.minsi %max3A_511, %min3A_513 : vector<16xi32>
    %add3A_515 = arith.constant 8192 : i32
    %add3A_516 = vector.broadcast %add3A_515 : i32 to vector<16xi32>
    %add3A_517 = arith.addi %min3A_514, %add3A_516 : vector<16xi32>
    %swap3A_518 = arith.constant 336 : index
    %swap3A_519 = tpu.vector_load %arg5[%swap3A_518] {strides = array<i32>} : memref<512xi32, #tpu.memory_space<vmem>>, vector<16xi32>,
    %swap3A_520 = vector.shape_cast %swap3A_519 : vector<16xi32> to vector<16xi32>
    %swap3A_521 = vector.shape_cast %add3A_517 : vector<16xi32> to vector<16xi32>
    tpu.vector_store %arg5[%swap3A_518], %swap3A_521 {strides = array<i32>} : memref<512xi32, #tpu.memory_space<vmem>>, vector<16xi32>,
    %dma_start3A_522 = arith.constant 320 : i32
    %dma_start3A_523 = tpu.memref_slice %arg5[%dma_start3A_522] : memref<512xi32, #tpu.memory_space<vmem>> -> memref<32xi32, #tpu.memory_space<vmem>>
    %dma_start3A_524 = arith.constant 0 : i32
    %dma_start3A_525 = arith.constant 0 : i32
    %dma_start3A_526 = tpu.memref_slice %arg3[%dma_start3A_524, %dma_start3A_525] : memref<16384x768xf32, #tpu.memory_space<hbm>> -> memref<16384x768xf32, #tpu.memory_space<hbm>>
    tpu.enqueue_indirect_dma source(%dma_start3A_526 : memref<16384x768xf32, #tpu.memory_space<hbm>>) target(%arg8 : memref<32x768xf32, #tpu.memory_space<vmem>>) offsets(%dma_start3A_523 : memref<32xi32, #tpu.memory_space<vmem>>) semaphore(%arg15 : memref<!tpu.dma_semaphore, #tpu.memory_space<semaphore_mem>>)
    %dma_wait3A_527 = arith.constant 256 : i32
    %dma_wait3A_528 = tpu.memref_slice %arg5[%dma_wait3A_527] : memref<512xi32, #tpu.memory_space<vmem>> -> memref<32xi32, #tpu.memory_space<vmem>>
    %dma_wait3A_529 = arith.constant 0 : i32
    %dma_wait3A_530 = arith.constant 0 : i32
    %dma_wait3A_531 = tpu.memref_slice %arg3[%dma_wait3A_529, %dma_wait3A_530] : memref<16384x768xf32, #tpu.memory_space<hbm>> -> memref<16384x768xf32, #tpu.memory_space<hbm>>
    tpu.wait_indirect_dma semaphore(%arg13 : memref<!tpu.dma_semaphore, #tpu.memory_space<semaphore_mem>>) src(%dma_wait3A_531 : memref<16384x768xf32, #tpu.memory_space<hbm>>) dst(%arg6 : memref<32x768xf32, #tpu.memory_space<vmem>>)
    %add3A_532 = arith.constant 256 : i32
    %add3A_533 = arith.addi %multiple_of3A, %add3A_532 : i32
    %dma_start3A_534 = arith.constant 0 : i32
    %dma_start3A_535 = tpu.memref_slice %arg4[%add3A_533, %dma_start3A_534] : memref<16383x768xf32, #tpu.memory_space<hbm>> -> memref<32x768xf32, #tpu.memory_space<hbm>>
    %dma_start3A_536 = arith.constant 0 : i32
    %dma_start3A_537 = tpu.memref_slice %arg4[%add3A_533, %dma_start3A_536] : memref<16383x768xf32, #tpu.memory_space<hbm>> -> memref<32x768xf32, #tpu.memory_space<hbm>>
    tpu.enqueue_dma source(%arg6 : memref<32x768xf32, #tpu.memory_space<vmem>>) target(%dma_start3A_537 : memref<32x768xf32, #tpu.memory_space<hbm>>) target_semaphore(%arg17 : memref<!tpu.dma_semaphore, #tpu.memory_space<semaphore_mem>>)
    %dma_wait3A_538 = arith.constant 0 : i32
    %dma_wait3A_539 = tpu.memref_slice %arg4[%add3A_481, %dma_wait3A_538] : memref<16383x768xf32, #tpu.memory_space<hbm>> -> memref<32x768xf32, #tpu.memory_space<hbm>>
    %dma_wait3A_540 = arith.constant 0 : i32
    %dma_wait3A_541 = tpu.memref_slice %arg4[%add3A_481, %dma_wait3A_540] : memref<16383x768xf32, #tpu.memory_space<hbm>> -> memref<32x768xf32, #tpu.memory_space<hbm>>
    tpu.wait_dma2 semaphore(%arg20 : memref<!tpu.dma_semaphore, #tpu.memory_space<semaphore_mem>>) src(%arg9 : memref<32x768xf32, #tpu.memory_space<vmem>>) dst(%dma_wait3A_541 : memref<32x768xf32, #tpu.memory_space<hbm>>)
    %get3A_542 = arith.constant 352 : index
    %get3A_543 = tpu.vector_load %arg5[%get3A_542] {strides = array<i32>} : memref<512xi32, #tpu.memory_space<vmem>>, vector<16xi32>,
    %get3A_544 = vector.shape_cast %get3A_543 : vector<16xi32> to vector<16xi32>
    %max3A_545 = arith.constant -8192 : i32
    %max3A_546 = vector.broadcast %max3A_545 : i32 to vector<16xi32>
    %max3A_547 = arith.maxsi %get3A_544, %max3A_546 : vector<16xi32>
    %min3A_548 = arith.constant 8191 : i32
    %min3A_549 = vector.broadcast %min3A_548 : i32 to vector<16xi32>
    %min3A_550 = arith.minsi %max3A_547, %min3A_549 : vector<16xi32>
    %add3A_551 = arith.constant 8192 : i32
    %add3A_552 = vector.broadcast %add3A_551 : i32 to vector<16xi32>
    %add3A_553 = arith.addi %min3A_550, %add3A_552 : vector<16xi32>
    %swap3A_554 = arith.constant 352 : index
    %swap3A_555 = tpu.vector_load %arg5[%swap3A_554] {strides = array<i32>} : memref<512xi32, #tpu.memory_space<vmem>>, vector<16xi32>,
    %swap3A_556 = vector.shape_cast %swap3A_555 : vector<16xi32> to vector<16xi32>
    %swap3A_557 = vector.shape_cast %add3A_553 : vector<16xi32> to vector<16xi32>
    tpu.vector_store %arg5[%swap3A_554], %swap3A_557 {strides = array<i32>} : memref<512xi32, #tpu.memory_space<vmem>>, vector<16xi32>,
    %get3A_558 = arith.constant 368 : index
    %get3A_559 = tpu.vector_load %arg5[%get3A_558] {strides = array<i32>} : memref<512xi32, #tpu.memory_space<vmem>>, vector<16xi32>,
    %get3A_560 = vector.shape_cast %get3A_559 : vector<16xi32> to vector<16xi32>
    %max3A_561 = arith.constant -8192 : i32
    %max3A_562 = vector.broadcast %max3A_561 : i32 to vector<16xi32>
    %max3A_563 = arith.maxsi %get3A_560, %max3A_562 : vector<16xi32>
    %min3A_564 = arith.constant 8191 : i32
    %min3A_565 = vector.broadcast %min3A_564 : i32 to vector<16xi32>
    %min3A_566 = arith.minsi %max3A_563, %min3A_565 : vector<16xi32>
    %add3A_567 = arith.constant 8192 : i32
    %add3A_568 = vector.broadcast %add3A_567 : i32 to vector<16xi32>
    %add3A_569 = arith.addi %min3A_566, %add3A_568 : vector<16xi32>
    %swap3A_570 = arith.constant 368 : index
    %swap3A_571 = tpu.vector_load %arg5[%swap3A_570] {strides = array<i32>} : memref<512xi32, #tpu.memory_space<vmem>>, vector<16xi32>,
    %swap3A_572 = vector.shape_cast %swap3A_571 : vector<16xi32> to vector<16xi32>
    %swap3A_573 = vector.shape_cast %add3A_569 : vector<16xi32> to vector<16xi32>
    tpu.vector_store %arg5[%swap3A_570], %swap3A_573 {strides = array<i32>} : memref<512xi32, #tpu.memory_space<vmem>>, vector<16xi32>,
    %dma_start3A_574 = arith.constant 352 : i32
    %dma_start3A_575 = tpu.memref_slice %arg5[%dma_start3A_574] : memref<512xi32, #tpu.memory_space<vmem>> -> memref<32xi32, #tpu.memory_space<vmem>>
    %dma_start3A_576 = arith.constant 0 : i32
    %dma_start3A_577 = arith.constant 0 : i32
    %dma_start3A_578 = tpu.memref_slice %arg3[%dma_start3A_576, %dma_start3A_577] : memref<16384x768xf32, #tpu.memory_space<hbm>> -> memref<16384x768xf32, #tpu.memory_space<hbm>>
    tpu.enqueue_indirect_dma source(%dma_start3A_578 : memref<16384x768xf32, #tpu.memory_space<hbm>>) target(%arg9 : memref<32x768xf32, #tpu.memory_space<vmem>>) offsets(%dma_start3A_575 : memref<32xi32, #tpu.memory_space<vmem>>) semaphore(%arg16 : memref<!tpu.dma_semaphore, #tpu.memory_space<semaphore_mem>>)
    %dma_wait3A_579 = arith.constant 288 : i32
    %dma_wait3A_580 = tpu.memref_slice %arg5[%dma_wait3A_579] : memref<512xi32, #tpu.memory_space<vmem>> -> memref<32xi32, #tpu.memory_space<vmem>>
    %dma_wait3A_581 = arith.constant 0 : i32
    %dma_wait3A_582 = arith.constant 0 : i32
    %dma_wait3A_583 = tpu.memref_slice %arg3[%dma_wait3A_581, %dma_wait3A_582] : memref<16384x768xf32, #tpu.memory_space<hbm>> -> memref<16384x768xf32, #tpu.memory_space<hbm>>
    tpu.wait_indirect_dma semaphore(%arg14 : memref<!tpu.dma_semaphore, #tpu.memory_space<semaphore_mem>>) src(%dma_wait3A_583 : memref<16384x768xf32, #tpu.memory_space<hbm>>) dst(%arg7 : memref<32x768xf32, #tpu.memory_space<vmem>>)
    %add3A_584 = arith.constant 288 : i32
    %add3A_585 = arith.addi %multiple_of3A, %add3A_584 : i32
    %dma_start3A_586 = arith.constant 0 : i32
    %dma_start3A_587 = tpu.memref_slice %arg4[%add3A_585, %dma_start3A_586] : memref<16383x768xf32, #tpu.memory_space<hbm>> -> memref<32x768xf32, #tpu.memory_space<hbm>>
    %dma_start3A_588 = arith.constant 0 : i32
    %dma_start3A_589 = tpu.memref_slice %arg4[%add3A_585, %dma_start3A_588] : memref<16383x768xf32, #tpu.memory_space<hbm>> -> memref<32x768xf32, #tpu.memory_space<hbm>>
    tpu.enqueue_dma source(%arg7 : memref<32x768xf32, #tpu.memory_space<vmem>>) target(%dma_start3A_589 : memref<32x768xf32, #tpu.memory_space<hbm>>) target_semaphore(%arg18 : memref<!tpu.dma_semaphore, #tpu.memory_space<semaphore_mem>>)
    %dma_wait3A_590 = arith.constant 0 : i32
    %dma_wait3A_591 = tpu.memref_slice %arg4[%add3A_533, %dma_wait3A_590] : memref<16383x768xf32, #tpu.memory_space<hbm>> -> memref<32x768xf32, #tpu.memory_space<hbm>>
    %dma_wait3A_592 = arith.constant 0 : i32
    %dma_wait3A_593 = tpu.memref_slice %arg4[%add3A_533, %dma_wait3A_592] : memref<16383x768xf32, #tpu.memory_space<hbm>> -> memref<32x768xf32, #tpu.memory_space<hbm>>
    tpu.wait_dma2 semaphore(%arg17 : memref<!tpu.dma_semaphore, #tpu.memory_space<semaphore_mem>>) src(%arg6 : memref<32x768xf32, #tpu.memory_space<vmem>>) dst(%dma_wait3A_593 : memref<32x768xf32, #tpu.memory_space<hbm>>)
    %get3A_594 = arith.constant 384 : index
    %get3A_595 = tpu.vector_load %arg5[%get3A_594] {strides = array<i32>} : memref<512xi32, #tpu.memory_space<vmem>>, vector<16xi32>,
    %get3A_596 = vector.shape_cast %get3A_595 : vector<16xi32> to vector<16xi32>
    %max3A_597 = arith.constant -8192 : i32
    %max3A_598 = vector.broadcast %max3A_597 : i32 to vector<16xi32>
    %max3A_599 = arith.maxsi %get3A_596, %max3A_598 : vector<16xi32>
    %min3A_600 = arith.constant 8191 : i32
    %min3A_601 = vector.broadcast %min3A_600 : i32 to vector<16xi32>
    %min3A_602 = arith.minsi %max3A_599, %min3A_601 : vector<16xi32>
    %add3A_603 = arith.constant 8192 : i32
    %add3A_604 = vector.broadcast %add3A_603 : i32 to vector<16xi32>
    %add3A_605 = arith.addi %min3A_602, %add3A_604 : vector<16xi32>
    %swap3A_606 = arith.constant 384 : index
    %swap3A_607 = tpu.vector_load %arg5[%swap3A_606] {strides = array<i32>} : memref<512xi32, #tpu.memory_space<vmem>>, vector<16xi32>,
    %swap3A_608 = vector.shape_cast %swap3A_607 : vector<16xi32> to vector<16xi32>
    %swap3A_609 = vector.shape_cast %add3A_605 : vector<16xi32> to vector<16xi32>
    tpu.vector_store %arg5[%swap3A_606], %swap3A_609 {strides = array<i32>} : memref<512xi32, #tpu.memory_space<vmem>>, vector<16xi32>,
    %get3A_610 = arith.constant 400 : index
    %get3A_611 = tpu.vector_load %arg5[%get3A_610] {strides = array<i32>} : memref<512xi32, #tpu.memory_space<vmem>>, vector<16xi32>,
    %get3A_612 = vector.shape_cast %get3A_611 : vector<16xi32> to vector<16xi32>
    %max3A_613 = arith.constant -8192 : i32
    %max3A_614 = vector.broadcast %max3A_613 : i32 to vector<16xi32>
    %max3A_615 = arith.maxsi %get3A_612, %max3A_614 : vector<16xi32>
    %min3A_616 = arith.constant 8191 : i32
    %min3A_617 = vector.broadcast %min3A_616 : i32 to vector<16xi32>
    %min3A_618 = arith.minsi %max3A_615, %min3A_617 : vector<16xi32>
    %add3A_619 = arith.constant 8192 : i32
    %add3A_620 = vector.broadcast %add3A_619 : i32 to vector<16xi32>
    %add3A_621 = arith.addi %min3A_618, %add3A_620 : vector<16xi32>
    %swap3A_622 = arith.constant 400 : index
    %swap3A_623 = tpu.vector_load %arg5[%swap3A_622] {strides = array<i32>} : memref<512xi32, #tpu.memory_space<vmem>>, vector<16xi32>,
    %swap3A_624 = vector.shape_cast %swap3A_623 : vector<16xi32> to vector<16xi32>
    %swap3A_625 = vector.shape_cast %add3A_621 : vector<16xi32> to vector<16xi32>
    tpu.vector_store %arg5[%swap3A_622], %swap3A_625 {strides = array<i32>} : memref<512xi32, #tpu.memory_space<vmem>>, vector<16xi32>,
    %dma_start3A_626 = arith.constant 384 : i32
    %dma_start3A_627 = tpu.memref_slice %arg5[%dma_start3A_626] : memref<512xi32, #tpu.memory_space<vmem>> -> memref<32xi32, #tpu.memory_space<vmem>>
    %dma_start3A_628 = arith.constant 0 : i32
    %dma_start3A_629 = arith.constant 0 : i32
    %dma_start3A_630 = tpu.memref_slice %arg3[%dma_start3A_628, %dma_start3A_629] : memref<16384x768xf32, #tpu.memory_space<hbm>> -> memref<16384x768xf32, #tpu.memory_space<hbm>>
    tpu.enqueue_indirect_dma source(%dma_start3A_630 : memref<16384x768xf32, #tpu.memory_space<hbm>>) target(%arg6 : memref<32x768xf32, #tpu.memory_space<vmem>>) offsets(%dma_start3A_627 : memref<32xi32, #tpu.memory_space<vmem>>) semaphore(%arg13 : memref<!tpu.dma_semaphore, #tpu.memory_space<semaphore_mem>>)
    %dma_wait3A_631 = arith.constant 320 : i32
    %dma_wait3A_632 = tpu.memref_slice %arg5[%dma_wait3A_631] : memref<512xi32, #tpu.memory_space<vmem>> -> memref<32xi32, #tpu.memory_space<vmem>>
    %dma_wait3A_633 = arith.constant 0 : i32
    %dma_wait3A_634 = arith.constant 0 : i32
    %dma_wait3A_635 = tpu.memref_slice %arg3[%dma_wait3A_633, %dma_wait3A_634] : memref<16384x768xf32, #tpu.memory_space<hbm>> -> memref<16384x768xf32, #tpu.memory_space<hbm>>
    tpu.wait_indirect_dma semaphore(%arg15 : memref<!tpu.dma_semaphore, #tpu.memory_space<semaphore_mem>>) src(%dma_wait3A_635 : memref<16384x768xf32, #tpu.memory_space<hbm>>) dst(%arg8 : memref<32x768xf32, #tpu.memory_space<vmem>>)
    %add3A_636 = arith.constant 320 : i32
    %add3A_637 = arith.addi %multiple_of3A, %add3A_636 : i32
    %dma_start3A_638 = arith.constant 0 : i32
    %dma_start3A_639 = tpu.memref_slice %arg4[%add3A_637, %dma_start3A_638] : memref<16383x768xf32, #tpu.memory_space<hbm>> -> memref<32x768xf32, #tpu.memory_space<hbm>>
    %dma_start3A_640 = arith.constant 0 : i32
    %dma_start3A_641 = tpu.memref_slice %arg4[%add3A_637, %dma_start3A_640] : memref<16383x768xf32, #tpu.memory_space<hbm>> -> memref<32x768xf32, #tpu.memory_space<hbm>>
    tpu.enqueue_dma source(%arg8 : memref<32x768xf32, #tpu.memory_space<vmem>>) target(%dma_start3A_641 : memref<32x768xf32, #tpu.memory_space<hbm>>) target_semaphore(%arg19 : memref<!tpu.dma_semaphore, #tpu.memory_space<semaphore_mem>>)
    %dma_wait3A_642 = arith.constant 0 : i32
    %dma_wait3A_643 = tpu.memref_slice %arg4[%add3A_585, %dma_wait3A_642] : memref<16383x768xf32, #tpu.memory_space<hbm>> -> memref<32x768xf32, #tpu.memory_space<hbm>>
    %dma_wait3A_644 = arith.constant 0 : i32
    %dma_wait3A_645 = tpu.memref_slice %arg4[%add3A_585, %dma_wait3A_644] : memref<16383x768xf32, #tpu.memory_space<hbm>> -> memref<32x768xf32, #tpu.memory_space<hbm>>
    tpu.wait_dma2 semaphore(%arg18 : memref<!tpu.dma_semaphore, #tpu.memory_space<semaphore_mem>>) src(%arg7 : memref<32x768xf32, #tpu.memory_space<vmem>>) dst(%dma_wait3A_645 : memref<32x768xf32, #tpu.memory_space<hbm>>)
    %get3A_646 = arith.constant 416 : index
    %get3A_647 = tpu.vector_load %arg5[%get3A_646] {strides = array<i32>} : memref<512xi32, #tpu.memory_space<vmem>>, vector<16xi32>,
    %get3A_648 = vector.shape_cast %get3A_647 : vector<16xi32> to vector<16xi32>
    %max3A_649 = arith.constant -8192 : i32
    %max3A_650 = vector.broadcast %max3A_649 : i32 to vector<16xi32>
    %max3A_651 = arith.maxsi %get3A_648, %max3A_650 : vector<16xi32>
    %min3A_652 = arith.constant 8191 : i32
    %min3A_653 = vector.broadcast %min3A_652 : i32 to vector<16xi32>
    %min3A_654 = arith.minsi %max3A_651, %min3A_653 : vector<16xi32>
    %add3A_655 = arith.constant 8192 : i32
    %add3A_656 = vector.broadcast %add3A_655 : i32 to vector<16xi32>
    %add3A_657 = arith.addi %min3A_654, %add3A_656 : vector<16xi32>
    %swap3A_658 = arith.constant 416 : index
    %swap3A_659 = tpu.vector_load %arg5[%swap3A_658] {strides = array<i32>} : memref<512xi32, #tpu.memory_space<vmem>>, vector<16xi32>,
    %swap3A_660 = vector.shape_cast %swap3A_659 : vector<16xi32> to vector<16xi32>
    %swap3A_661 = vector.shape_cast %add3A_657 : vector<16xi32> to vector<16xi32>
    tpu.vector_store %arg5[%swap3A_658], %swap3A_661 {strides = array<i32>} : memref<512xi32, #tpu.memory_space<vmem>>, vector<16xi32>,
    %get3A_662 = arith.constant 432 : index
    %get3A_663 = tpu.vector_load %arg5[%get3A_662] {strides = array<i32>} : memref<512xi32, #tpu.memory_space<vmem>>, vector<16xi32>,
    %get3A_664 = vector.shape_cast %get3A_663 : vector<16xi32> to vector<16xi32>
    %max3A_665 = arith.constant -8192 : i32
    %max3A_666 = vector.broadcast %max3A_665 : i32 to vector<16xi32>
    %max3A_667 = arith.maxsi %get3A_664, %max3A_666 : vector<16xi32>
    %min3A_668 = arith.constant 8191 : i32
    %min3A_669 = vector.broadcast %min3A_668 : i32 to vector<16xi32>
    %min3A_670 = arith.minsi %max3A_667, %min3A_669 : vector<16xi32>
    %add3A_671 = arith.constant 8192 : i32
    %add3A_672 = vector.broadcast %add3A_671 : i32 to vector<16xi32>
    %add3A_673 = arith.addi %min3A_670, %add3A_672 : vector<16xi32>
    %swap3A_674 = arith.constant 432 : index
    %swap3A_675 = tpu.vector_load %arg5[%swap3A_674] {strides = array<i32>} : memref<512xi32, #tpu.memory_space<vmem>>, vector<16xi32>,
    %swap3A_676 = vector.shape_cast %swap3A_675 : vector<16xi32> to vector<16xi32>
    %swap3A_677 = vector.shape_cast %add3A_673 : vector<16xi32> to vector<16xi32>
    tpu.vector_store %arg5[%swap3A_674], %swap3A_677 {strides = array<i32>} : memref<512xi32, #tpu.memory_space<vmem>>, vector<16xi32>,
    %dma_start3A_678 = arith.constant 416 : i32
    %dma_start3A_679 = tpu.memref_slice %arg5[%dma_start3A_678] : memref<512xi32, #tpu.memory_space<vmem>> -> memref<32xi32, #tpu.memory_space<vmem>>
    %dma_start3A_680 = arith.constant 0 : i32
    %dma_start3A_681 = arith.constant 0 : i32
    %dma_start3A_682 = tpu.memref_slice %arg3[%dma_start3A_680, %dma_start3A_681] : memref<16384x768xf32, #tpu.memory_space<hbm>> -> memref<16384x768xf32, #tpu.memory_space<hbm>>
    tpu.enqueue_indirect_dma source(%dma_start3A_682 : memref<16384x768xf32, #tpu.memory_space<hbm>>) target(%arg7 : memref<32x768xf32, #tpu.memory_space<vmem>>) offsets(%dma_start3A_679 : memref<32xi32, #tpu.memory_space<vmem>>) semaphore(%arg14 : memref<!tpu.dma_semaphore, #tpu.memory_space<semaphore_mem>>)
    %convert_element_type3A_683 = arith.extui %eq3A_4 : i1 to i32
    %cond3A_684 = arith.constant 0 : i32
    %cond3A_685 = arith.cmpi ne, %convert_element_type3A_683, %cond3A_684 : i32
    scf.if %cond3A_685 {
      %dma_wait3A_842 = arith.constant 0 : i32
      %dma_wait3A_843 = arith.constant 0 : i32
      %dma_wait3A_844 = tpu.memref_slice %arg3[%dma_wait3A_842, %dma_wait3A_843] : memref<16384x768xf32, #tpu.memory_space<hbm>> -> memref<16384x768xf32, #tpu.memory_space<hbm>>
      tpu.wait_indirect_dma semaphore(%arg21 : memref<!tpu.dma_semaphore, #tpu.memory_space<semaphore_mem>>) src(%dma_wait3A_844 : memref<16384x768xf32, #tpu.memory_space<hbm>>) dst(%arg12 : memref<16x768xf32, #tpu.memory_space<vmem>>)
      %dma_start3A_845 = arith.constant 0 : i32
      %dma_start3A_846 = arith.constant 0 : i32
      %dma_start3A_847 = tpu.memref_slice %arg4[%dma_start3A_845, %dma_start3A_846] : memref<16383x768xf32, #tpu.memory_space<hbm>> -> memref<16383x768xf32, #tpu.memory_space<hbm>>
      tpu.enqueue_indirect_dma source(%arg12 : memref<16x768xf32, #tpu.memory_space<vmem>>) target(%dma_start3A_847 : memref<16383x768xf32, #tpu.memory_space<hbm>>) offsets(%arg10 : memref<16xi32, #tpu.memory_space<vmem>>) semaphore(%arg21 : memref<!tpu.dma_semaphore, #tpu.memory_space<semaphore_mem>>)
    } else {
    }
    %dma_wait3A_686 = arith.constant 352 : i32
    %dma_wait3A_687 = tpu.memref_slice %arg5[%dma_wait3A_686] : memref<512xi32, #tpu.memory_space<vmem>> -> memref<32xi32, #tpu.memory_space<vmem>>
    %dma_wait3A_688 = arith.constant 0 : i32
    %dma_wait3A_689 = arith.constant 0 : i32
    %dma_wait3A_690 = tpu.memref_slice %arg3[%dma_wait3A_688, %dma_wait3A_689] : memref<16384x768xf32, #tpu.memory_space<hbm>> -> memref<16384x768xf32, #tpu.memory_space<hbm>>
    tpu.wait_indirect_dma semaphore(%arg16 : memref<!tpu.dma_semaphore, #tpu.memory_space<semaphore_mem>>) src(%dma_wait3A_690 : memref<16384x768xf32, #tpu.memory_space<hbm>>) dst(%arg9 : memref<32x768xf32, #tpu.memory_space<vmem>>)
    %add3A_691 = arith.constant 352 : i32
    %add3A_692 = arith.addi %multiple_of3A, %add3A_691 : i32
    %dma_start3A_693 = arith.constant 0 : i32
    %dma_start3A_694 = tpu.memref_slice %arg4[%add3A_692, %dma_start3A_693] : memref<16383x768xf32, #tpu.memory_space<hbm>> -> memref<32x768xf32, #tpu.memory_space<hbm>>
    %dma_start3A_695 = arith.constant 0 : i32
    %dma_start3A_696 = tpu.memref_slice %arg4[%add3A_692, %dma_start3A_695] : memref<16383x768xf32, #tpu.memory_space<hbm>> -> memref<32x768xf32, #tpu.memory_space<hbm>>
    tpu.enqueue_dma source(%arg9 : memref<32x768xf32, #tpu.memory_space<vmem>>) target(%dma_start3A_696 : memref<32x768xf32, #tpu.memory_space<hbm>>) target_semaphore(%arg20 : memref<!tpu.dma_semaphore, #tpu.memory_space<semaphore_mem>>)
    %dma_wait3A_697 = arith.constant 0 : i32
    %dma_wait3A_698 = tpu.memref_slice %arg4[%add3A_637, %dma_wait3A_697] : memref<16383x768xf32, #tpu.memory_space<hbm>> -> memref<32x768xf32, #tpu.memory_space<hbm>>
    %dma_wait3A_699 = arith.constant 0 : i32
    %dma_wait3A_700 = tpu.memref_slice %arg4[%add3A_637, %dma_wait3A_699] : memref<16383x768xf32, #tpu.memory_space<hbm>> -> memref<32x768xf32, #tpu.memory_space<hbm>>
    tpu.wait_dma2 semaphore(%arg19 : memref<!tpu.dma_semaphore, #tpu.memory_space<semaphore_mem>>) src(%arg8 : memref<32x768xf32, #tpu.memory_space<vmem>>) dst(%dma_wait3A_700 : memref<32x768xf32, #tpu.memory_space<hbm>>)
    %get3A_701 = arith.constant 448 : index
    %get3A_702 = tpu.vector_load %arg5[%get3A_701] {strides = array<i32>} : memref<512xi32, #tpu.memory_space<vmem>>, vector<16xi32>,
    %get3A_703 = vector.shape_cast %get3A_702 : vector<16xi32> to vector<16xi32>
    %max3A_704 = arith.constant -8192 : i32
    %max3A_705 = vector.broadcast %max3A_704 : i32 to vector<16xi32>
    %max3A_706 = arith.maxsi %get3A_703, %max3A_705 : vector<16xi32>
    %min3A_707 = arith.constant 8191 : i32
    %min3A_708 = vector.broadcast %min3A_707 : i32 to vector<16xi32>
    %min3A_709 = arith.minsi %max3A_706, %min3A_708 : vector<16xi32>
    %add3A_710 = arith.constant 8192 : i32
    %add3A_711 = vector.broadcast %add3A_710 : i32 to vector<16xi32>
    %add3A_712 = arith.addi %min3A_709, %add3A_711 : vector<16xi32>
    %swap3A_713 = arith.constant 448 : index
    %swap3A_714 = tpu.vector_load %arg5[%swap3A_713] {strides = array<i32>} : memref<512xi32, #tpu.memory_space<vmem>>, vector<16xi32>,
    %swap3A_715 = vector.shape_cast %swap3A_714 : vector<16xi32> to vector<16xi32>
    %swap3A_716 = vector.shape_cast %add3A_712 : vector<16xi32> to vector<16xi32>
    tpu.vector_store %arg5[%swap3A_713], %swap3A_716 {strides = array<i32>} : memref<512xi32, #tpu.memory_space<vmem>>, vector<16xi32>,
    %get3A_717 = arith.constant 464 : index
    %get3A_718 = tpu.vector_load %arg5[%get3A_717] {strides = array<i32>} : memref<512xi32, #tpu.memory_space<vmem>>, vector<16xi32>,
    %get3A_719 = vector.shape_cast %get3A_718 : vector<16xi32> to vector<16xi32>
    %max3A_720 = arith.constant -8192 : i32
    %max3A_721 = vector.broadcast %max3A_720 : i32 to vector<16xi32>
    %max3A_722 = arith.maxsi %get3A_719, %max3A_721 : vector<16xi32>
    %min3A_723 = arith.constant 8191 : i32
    %min3A_724 = vector.broadcast %min3A_723 : i32 to vector<16xi32>
    %min3A_725 = arith.minsi %max3A_722, %min3A_724 : vector<16xi32>
    %add3A_726 = arith.constant 8192 : i32
    %add3A_727 = vector.broadcast %add3A_726 : i32 to vector<16xi32>
    %add3A_728 = arith.addi %min3A_725, %add3A_727 : vector<16xi32>
    %swap3A_729 = arith.constant 464 : index
    %swap3A_730 = tpu.vector_load %arg5[%swap3A_729] {strides = array<i32>} : memref<512xi32, #tpu.memory_space<vmem>>, vector<16xi32>,
    %swap3A_731 = vector.shape_cast %swap3A_730 : vector<16xi32> to vector<16xi32>
    %swap3A_732 = vector.shape_cast %add3A_728 : vector<16xi32> to vector<16xi32>
    tpu.vector_store %arg5[%swap3A_729], %swap3A_732 {strides = array<i32>} : memref<512xi32, #tpu.memory_space<vmem>>, vector<16xi32>,
    %dma_start3A_733 = arith.constant 448 : i32
    %dma_start3A_734 = tpu.memref_slice %arg5[%dma_start3A_733] : memref<512xi32, #tpu.memory_space<vmem>> -> memref<32xi32, #tpu.memory_space<vmem>>
    %dma_start3A_735 = arith.constant 0 : i32
    %dma_start3A_736 = arith.constant 0 : i32
    %dma_start3A_737 = tpu.memref_slice %arg3[%dma_start3A_735, %dma_start3A_736] : memref<16384x768xf32, #tpu.memory_space<hbm>> -> memref<16384x768xf32, #tpu.memory_space<hbm>>
    tpu.enqueue_indirect_dma source(%dma_start3A_737 : memref<16384x768xf32, #tpu.memory_space<hbm>>) target(%arg8 : memref<32x768xf32, #tpu.memory_space<vmem>>) offsets(%dma_start3A_734 : memref<32xi32, #tpu.memory_space<vmem>>) semaphore(%arg15 : memref<!tpu.dma_semaphore, #tpu.memory_space<semaphore_mem>>)
    %dma_wait3A_738 = arith.constant 384 : i32
    %dma_wait3A_739 = tpu.memref_slice %arg5[%dma_wait3A_738] : memref<512xi32, #tpu.memory_space<vmem>> -> memref<32xi32, #tpu.memory_space<vmem>>
    %dma_wait3A_740 = arith.constant 0 : i32
    %dma_wait3A_741 = arith.constant 0 : i32
    %dma_wait3A_742 = tpu.memref_slice %arg3[%dma_wait3A_740, %dma_wait3A_741] : memref<16384x768xf32, #tpu.memory_space<hbm>> -> memref<16384x768xf32, #tpu.memory_space<hbm>>
    tpu.wait_indirect_dma semaphore(%arg13 : memref<!tpu.dma_semaphore, #tpu.memory_space<semaphore_mem>>) src(%dma_wait3A_742 : memref<16384x768xf32, #tpu.memory_space<hbm>>) dst(%arg6 : memref<32x768xf32, #tpu.memory_space<vmem>>)
    %add3A_743 = arith.constant 384 : i32
    %add3A_744 = arith.addi %multiple_of3A, %add3A_743 : i32
    %dma_start3A_745 = arith.constant 0 : i32
    %dma_start3A_746 = tpu.memref_slice %arg4[%add3A_744, %dma_start3A_745] : memref<16383x768xf32, #tpu.memory_space<hbm>> -> memref<32x768xf32, #tpu.memory_space<hbm>>
    %dma_start3A_747 = arith.constant 0 : i32
    %dma_start3A_748 = tpu.memref_slice %arg4[%add3A_744, %dma_start3A_747] : memref<16383x768xf32, #tpu.memory_space<hbm>> -> memref<32x768xf32, #tpu.memory_space<hbm>>
    tpu.enqueue_dma source(%arg6 : memref<32x768xf32, #tpu.memory_space<vmem>>) target(%dma_start3A_748 : memref<32x768xf32, #tpu.memory_space<hbm>>) target_semaphore(%arg17 : memref<!tpu.dma_semaphore, #tpu.memory_space<semaphore_mem>>)
    %dma_wait3A_749 = arith.constant 0 : i32
    %dma_wait3A_750 = tpu.memref_slice %arg4[%add3A_692, %dma_wait3A_749] : memref<16383x768xf32, #tpu.memory_space<hbm>> -> memref<32x768xf32, #tpu.memory_space<hbm>>
    %dma_wait3A_751 = arith.constant 0 : i32
    %dma_wait3A_752 = tpu.memref_slice %arg4[%add3A_692, %dma_wait3A_751] : memref<16383x768xf32, #tpu.memory_space<hbm>> -> memref<32x768xf32, #tpu.memory_space<hbm>>
    tpu.wait_dma2 semaphore(%arg20 : memref<!tpu.dma_semaphore, #tpu.memory_space<semaphore_mem>>) src(%arg9 : memref<32x768xf32, #tpu.memory_space<vmem>>) dst(%dma_wait3A_752 : memref<32x768xf32, #tpu.memory_space<hbm>>)
    %get3A_753 = arith.constant 480 : index
    %get3A_754 = tpu.vector_load %arg5[%get3A_753] {strides = array<i32>} : memref<512xi32, #tpu.memory_space<vmem>>, vector<16xi32>,
    %get3A_755 = vector.shape_cast %get3A_754 : vector<16xi32> to vector<16xi32>
    %max3A_756 = arith.constant -8192 : i32
    %max3A_757 = vector.broadcast %max3A_756 : i32 to vector<16xi32>
    %max3A_758 = arith.maxsi %get3A_755, %max3A_757 : vector<16xi32>
    %min3A_759 = arith.constant 8191 : i32
    %min3A_760 = vector.broadcast %min3A_759 : i32 to vector<16xi32>
    %min3A_761 = arith.minsi %max3A_758, %min3A_760 : vector<16xi32>
    %add3A_762 = arith.constant 8192 : i32
    %add3A_763 = vector.broadcast %add3A_762 : i32 to vector<16xi32>
    %add3A_764 = arith.addi %min3A_761, %add3A_763 : vector<16xi32>
    %swap3A_765 = arith.constant 480 : index
    %swap3A_766 = tpu.vector_load %arg5[%swap3A_765] {strides = array<i32>} : memref<512xi32, #tpu.memory_space<vmem>>, vector<16xi32>,
    %swap3A_767 = vector.shape_cast %swap3A_766 : vector<16xi32> to vector<16xi32>
    %swap3A_768 = vector.shape_cast %add3A_764 : vector<16xi32> to vector<16xi32>
    tpu.vector_store %arg5[%swap3A_765], %swap3A_768 {strides = array<i32>} : memref<512xi32, #tpu.memory_space<vmem>>, vector<16xi32>,
    %get3A_769 = arith.constant 496 : index
    %get3A_770 = tpu.vector_load %arg5[%get3A_769] {strides = array<i32>} : memref<512xi32, #tpu.memory_space<vmem>>, vector<16xi32>,
    %get3A_771 = vector.shape_cast %get3A_770 : vector<16xi32> to vector<16xi32>
    %max3A_772 = arith.constant -8192 : i32
    %max3A_773 = vector.broadcast %max3A_772 : i32 to vector<16xi32>
    %max3A_774 = arith.maxsi %get3A_771, %max3A_773 : vector<16xi32>
    %min3A_775 = arith.constant 8191 : i32
    %min3A_776 = vector.broadcast %min3A_775 : i32 to vector<16xi32>
    %min3A_777 = arith.minsi %max3A_774, %min3A_776 : vector<16xi32>
    %add3A_778 = arith.constant 8192 : i32
    %add3A_779 = vector.broadcast %add3A_778 : i32 to vector<16xi32>
    %add3A_780 = arith.addi %min3A_777, %add3A_779 : vector<16xi32>
    %swap3A_781 = arith.constant 496 : index
    %swap3A_782 = tpu.vector_load %arg5[%swap3A_781] {strides = array<i32>} : memref<512xi32, #tpu.memory_space<vmem>>, vector<16xi32>,
    %swap3A_783 = vector.shape_cast %swap3A_782 : vector<16xi32> to vector<16xi32>
    %swap3A_784 = vector.shape_cast %add3A_780 : vector<16xi32> to vector<16xi32>
    tpu.vector_store %arg5[%swap3A_781], %swap3A_784 {strides = array<i32>} : memref<512xi32, #tpu.memory_space<vmem>>, vector<16xi32>,
    %dma_start3A_785 = arith.constant 480 : i32
    %dma_start3A_786 = tpu.memref_slice %arg5[%dma_start3A_785] : memref<512xi32, #tpu.memory_space<vmem>> -> memref<32xi32, #tpu.memory_space<vmem>>
    %dma_start3A_787 = arith.constant 0 : i32
    %dma_start3A_788 = arith.constant 0 : i32
    %dma_start3A_789 = tpu.memref_slice %arg3[%dma_start3A_787, %dma_start3A_788] : memref<16384x768xf32, #tpu.memory_space<hbm>> -> memref<16384x768xf32, #tpu.memory_space<hbm>>
    tpu.enqueue_indirect_dma source(%dma_start3A_789 : memref<16384x768xf32, #tpu.memory_space<hbm>>) target(%arg9 : memref<32x768xf32, #tpu.memory_space<vmem>>) offsets(%dma_start3A_786 : memref<32xi32, #tpu.memory_space<vmem>>) semaphore(%arg16 : memref<!tpu.dma_semaphore, #tpu.memory_space<semaphore_mem>>)
    %dma_wait3A_790 = arith.constant 416 : i32
    %dma_wait3A_791 = tpu.memref_slice %arg5[%dma_wait3A_790] : memref<512xi32, #tpu.memory_space<vmem>> -> memref<32xi32, #tpu.memory_space<vmem>>
    %dma_wait3A_792 = arith.constant 0 : i32
    %dma_wait3A_793 = arith.constant 0 : i32
    %dma_wait3A_794 = tpu.memref_slice %arg3[%dma_wait3A_792, %dma_wait3A_793] : memref<16384x768xf32, #tpu.memory_space<hbm>> -> memref<16384x768xf32, #tpu.memory_space<hbm>>
    tpu.wait_indirect_dma semaphore(%arg14 : memref<!tpu.dma_semaphore, #tpu.memory_space<semaphore_mem>>) src(%dma_wait3A_794 : memref<16384x768xf32, #tpu.memory_space<hbm>>) dst(%arg7 : memref<32x768xf32, #tpu.memory_space<vmem>>)
    %add3A_795 = arith.constant 416 : i32
    %add3A_796 = arith.addi %multiple_of3A, %add3A_795 : i32
    %dma_start3A_797 = arith.constant 0 : i32
    %dma_start3A_798 = tpu.memref_slice %arg4[%add3A_796, %dma_start3A_797] : memref<16383x768xf32, #tpu.memory_space<hbm>> -> memref<32x768xf32, #tpu.memory_space<hbm>>
    %dma_start3A_799 = arith.constant 0 : i32
    %dma_start3A_800 = tpu.memref_slice %arg4[%add3A_796, %dma_start3A_799] : memref<16383x768xf32, #tpu.memory_space<hbm>> -> memref<32x768xf32, #tpu.memory_space<hbm>>
    tpu.enqueue_dma source(%arg7 : memref<32x768xf32, #tpu.memory_space<vmem>>) target(%dma_start3A_800 : memref<32x768xf32, #tpu.memory_space<hbm>>) target_semaphore(%arg18 : memref<!tpu.dma_semaphore, #tpu.memory_space<semaphore_mem>>)
    %dma_wait3A_801 = arith.constant 448 : i32
    %dma_wait3A_802 = tpu.memref_slice %arg5[%dma_wait3A_801] : memref<512xi32, #tpu.memory_space<vmem>> -> memref<32xi32, #tpu.memory_space<vmem>>
    %dma_wait3A_803 = arith.constant 0 : i32
    %dma_wait3A_804 = arith.constant 0 : i32
    %dma_wait3A_805 = tpu.memref_slice %arg3[%dma_wait3A_803, %dma_wait3A_804] : memref<16384x768xf32, #tpu.memory_space<hbm>> -> memref<16384x768xf32, #tpu.memory_space<hbm>>
    tpu.wait_indirect_dma semaphore(%arg15 : memref<!tpu.dma_semaphore, #tpu.memory_space<semaphore_mem>>) src(%dma_wait3A_805 : memref<16384x768xf32, #tpu.memory_space<hbm>>) dst(%arg8 : memref<32x768xf32, #tpu.memory_space<vmem>>)
    %add3A_806 = arith.constant 448 : i32
    %add3A_807 = arith.addi %multiple_of3A, %add3A_806 : i32
    %dma_start3A_808 = arith.constant 0 : i32
    %dma_start3A_809 = tpu.memref_slice %arg4[%add3A_807, %dma_start3A_808] : memref<16383x768xf32, #tpu.memory_space<hbm>> -> memref<32x768xf32, #tpu.memory_space<hbm>>
    %dma_start3A_810 = arith.constant 0 : i32
    %dma_start3A_811 = tpu.memref_slice %arg4[%add3A_807, %dma_start3A_810] : memref<16383x768xf32, #tpu.memory_space<hbm>> -> memref<32x768xf32, #tpu.memory_space<hbm>>
    tpu.enqueue_dma source(%arg8 : memref<32x768xf32, #tpu.memory_space<vmem>>) target(%dma_start3A_811 : memref<32x768xf32, #tpu.memory_space<hbm>>) target_semaphore(%arg19 : memref<!tpu.dma_semaphore, #tpu.memory_space<semaphore_mem>>)
    %dma_wait3A_812 = arith.constant 480 : i32
    %dma_wait3A_813 = tpu.memref_slice %arg5[%dma_wait3A_812] : memref<512xi32, #tpu.memory_space<vmem>> -> memref<32xi32, #tpu.memory_space<vmem>>
    %dma_wait3A_814 = arith.constant 0 : i32
    %dma_wait3A_815 = arith.constant 0 : i32
    %dma_wait3A_816 = tpu.memref_slice %arg3[%dma_wait3A_814, %dma_wait3A_815] : memref<16384x768xf32, #tpu.memory_space<hbm>> -> memref<16384x768xf32, #tpu.memory_space<hbm>>
    tpu.wait_indirect_dma semaphore(%arg16 : memref<!tpu.dma_semaphore, #tpu.memory_space<semaphore_mem>>) src(%dma_wait3A_816 : memref<16384x768xf32, #tpu.memory_space<hbm>>) dst(%arg9 : memref<32x768xf32, #tpu.memory_space<vmem>>)
    %add3A_817 = arith.constant 480 : i32
    %add3A_818 = arith.addi %multiple_of3A, %add3A_817 : i32
    %dma_start3A_819 = arith.constant 0 : i32
    %dma_start3A_820 = tpu.memref_slice %arg4[%add3A_818, %dma_start3A_819] : memref<16383x768xf32, #tpu.memory_space<hbm>> -> memref<32x768xf32, #tpu.memory_space<hbm>>
    %dma_start3A_821 = arith.constant 0 : i32
    %dma_start3A_822 = tpu.memref_slice %arg4[%add3A_818, %dma_start3A_821] : memref<16383x768xf32, #tpu.memory_space<hbm>> -> memref<32x768xf32, #tpu.memory_space<hbm>>
    tpu.enqueue_dma source(%arg9 : memref<32x768xf32, #tpu.memory_space<vmem>>) target(%dma_start3A_822 : memref<32x768xf32, #tpu.memory_space<hbm>>) target_semaphore(%arg20 : memref<!tpu.dma_semaphore, #tpu.memory_space<semaphore_mem>>)
    %dma_wait3A_823 = arith.constant 0 : i32
    %dma_wait3A_824 = tpu.memref_slice %arg4[%add3A_744, %dma_wait3A_823] : memref<16383x768xf32, #tpu.memory_space<hbm>> -> memref<32x768xf32, #tpu.memory_space<hbm>>
    %dma_wait3A_825 = arith.constant 0 : i32
    %dma_wait3A_826 = tpu.memref_slice %arg4[%add3A_744, %dma_wait3A_825] : memref<16383x768xf32, #tpu.memory_space<hbm>> -> memref<32x768xf32, #tpu.memory_space<hbm>>
    tpu.wait_dma2 semaphore(%arg17 : memref<!tpu.dma_semaphore, #tpu.memory_space<semaphore_mem>>) src(%arg6 : memref<32x768xf32, #tpu.memory_space<vmem>>) dst(%dma_wait3A_826 : memref<32x768xf32, #tpu.memory_space<hbm>>)
    %dma_wait3A_827 = arith.constant 0 : i32
    %dma_wait3A_828 = tpu.memref_slice %arg4[%add3A_796, %dma_wait3A_827] : memref<16383x768xf32, #tpu.memory_space<hbm>> -> memref<32x768xf32, #tpu.memory_space<hbm>>
    %dma_wait3A_829 = arith.constant 0 : i32
    %dma_wait3A_830 = tpu.memref_slice %arg4[%add3A_796, %dma_wait3A_829] : memref<16383x768xf32, #tpu.memory_space<hbm>> -> memref<32x768xf32, #tpu.memory_space<hbm>>
    tpu.wait_dma2 semaphore(%arg18 : memref<!tpu.dma_semaphore, #tpu.memory_space<semaphore_mem>>) src(%arg7 : memref<32x768xf32, #tpu.memory_space<vmem>>) dst(%dma_wait3A_830 : memref<32x768xf32, #tpu.memory_space<hbm>>)
    %dma_wait3A_831 = arith.constant 0 : i32
    %dma_wait3A_832 = tpu.memref_slice %arg4[%add3A_807, %dma_wait3A_831] : memref<16383x768xf32, #tpu.memory_space<hbm>> -> memref<32x768xf32, #tpu.memory_space<hbm>>
    %dma_wait3A_833 = arith.constant 0 : i32
    %dma_wait3A_834 = tpu.memref_slice %arg4[%add3A_807, %dma_wait3A_833] : memref<16383x768xf32, #tpu.memory_space<hbm>> -> memref<32x768xf32, #tpu.memory_space<hbm>>
    tpu.wait_dma2 semaphore(%arg19 : memref<!tpu.dma_semaphore, #tpu.memory_space<semaphore_mem>>) src(%arg8 : memref<32x768xf32, #tpu.memory_space<vmem>>) dst(%dma_wait3A_834 : memref<32x768xf32, #tpu.memory_space<hbm>>)
    %dma_wait3A_835 = arith.constant 0 : i32
    %dma_wait3A_836 = tpu.memref_slice %arg4[%add3A_818, %dma_wait3A_835] : memref<16383x768xf32, #tpu.memory_space<hbm>> -> memref<32x768xf32, #tpu.memory_space<hbm>>
    %dma_wait3A_837 = arith.constant 0 : i32
    %dma_wait3A_838 = tpu.memref_slice %arg4[%add3A_818, %dma_wait3A_837] : memref<16383x768xf32, #tpu.memory_space<hbm>> -> memref<32x768xf32, #tpu.memory_space<hbm>>
    tpu.wait_dma2 semaphore(%arg20 : memref<!tpu.dma_semaphore, #tpu.memory_space<semaphore_mem>>) src(%arg9 : memref<32x768xf32, #tpu.memory_space<vmem>>) dst(%dma_wait3A_838 : memref<32x768xf32, #tpu.memory_space<hbm>>)
    %convert_element_type3A_839 = arith.extui %eq3A_4 : i1 to i32
    %cond3A_840 = arith.constant 0 : i32
    %cond3A_841 = arith.cmpi ne, %convert_element_type3A_839, %cond3A_840 : i32
    scf.if %cond3A_841 {
      %dma_wait3A_842 = arith.constant 0 : i32
      %dma_wait3A_843 = arith.constant 0 : i32
      %dma_wait3A_844 = tpu.memref_slice %arg4[%dma_wait3A_842, %dma_wait3A_843] : memref<16383x768xf32, #tpu.memory_space<hbm>> -> memref<16383x768xf32, #tpu.memory_space<hbm>>
      tpu.wait_indirect_dma semaphore(%arg21 : memref<!tpu.dma_semaphore, #tpu.memory_space<semaphore_mem>>) src(%arg12 : memref<16x768xf32, #tpu.memory_space<vmem>>) dst(%dma_wait3A_844 : memref<16383x768xf32, #tpu.memory_space<hbm>>)
    } else {
    }
    return
  }
}

</mosaic_0001>

<sc_bundles>
// kernel: kernel.3.cloned.1.call-start
scs
__scs_entry_jumppad:
0x0: {  	(pc) =	sbr.rel $0x88, $3  }
0x1: {  	(tag) =	ssettag $0x0;
	lr =	simm.s32 $0x1  }
0x2: {  	[smem:$0x3F9F] =	sst lr;
	_ =	strace $0xD0000000  }
0x3: {  	_ = 	snop  }
0x4: {  	_ = 	snop  }
0x5: {  	_ = 	snop  }
0x6: {  	_ = 	snop  }
0x7: {  	_ = 	snop  }
__scs_overlays_trampoline_lowered:
0x8: {  	[smem:$0x3FAE] =	sst s0  }
0x9: {  	[smem:$0x3FAF] =	sst s1  }
0xa: {  	[smem:$0x3FB0] =	sst s2  }
0xb: {  	[smem:$0x3FB1] =	sst s3  }
0xc: {  	[smem:$0x3FB2] =	sst s4  }
0xd: {  	[smem:$0x3FB3] =	sst s5  }
0xe: {  	[smem:$0x3FB4] =	sst s6  }
0xf: {  	[smem:$0x3FB5] =	sst s7  }
0x10: {  	[smem:$0x3FB6] =	sst s8  }
0x11: {  	[smem:$0x3FB7] =	sst s9;
	s0 =	simm.s32 @!p0 $0x0  }
0x12: {  	s1 =	sld [smem:$0x3F9D];
	s0 =	simm.s32 @p0 $0x1  }
0x13: {  	[smem:$0x3FB8] =	sst s0;
	s0 =	simm.s32 @!p1 $0x0  }
0x14: {  	s2 =	sld [smem:$0x3F9C];
	s0 =	simm.s32 @p1 $0x1  }
0x15: {  	[smem:$0x3FB9] =	sst s0;
	s0 =	simm.s32 @!p2 $0x0  }
0x16: {  	s3 =	sld [smem:$0x3FDB];
	s0 =	simm.s32 @p2 $0x1  }
0x17: {  	s4 =	simm.s32 $0x1BF5;
	[smem:$0x3FBB] =	sst s0  }
0x18: {  	s0 =	sld [smem:$0x3F9E];
	_ =	swait.ge [sflag:s4], $0x0  }
0x19: {  	s7 =	sld [smem:$0x3F9F]  }
0x1a: {  	s8 =	sadd.s32 $0xFFFFE003, lr  }
0x1b: {  	s9 =	sadd.s32 $0xFFFFFEF7, lr;
	s5 =	simm.s32 $0xFFFFFFFF;
	p2 =	slt.u32 s8, $0xFFFFF086  }
0x1c: {  	p1 =	slt.u32 s9, $0xF7A;
	s5 =	simm.s32 @!p2 $0x0  }
0x1d: {  	s5 =	simm.s32 @p1 $0x1;
	p0 =	seq.s32 s7, s2  }
0x1e: {  	s7 =	smul.u32 @!p0 $0xF7A, s2;
	p2 =	seq.s32 @!p0 s5, $0x0  }
0x1f: {  	s9 =	smul.u32 $0xF7A, s1;
	s8 =	simm.s32 @!p0 $0x1BF5;
	p2 =	por !p2, p0  }
0x20: {  	[sflag:s8] =	ssyncset.s32 @!p0 $0xFFFFF086;
	s6 =	sadd.s32 @!p0 s3, s7;
	s7 =	simm.s32 @!p0 $0x108  }
0x21: {  	s3 =	sadd.s32 s3, s9;
	s6 =	sadd.s32 @!p0 $0x88, s6;
	s7 =	simm.s32 @p2 $0x1082  }
0x22: {  	[simem:s7], [sflag:s8] =	dma.local @!p0 [hbm:s6], $0xF7A  }
0x23: {  	s9 =	sor.u32 $0xD0000000, s2;
	s6 =	simm.s32 $0x108;
	_ =	swait.ge @!p0 [sflag:s8], $0x0  }
0x24: {  	s3 =	sadd.s32 $0x88, s3;
	s6 =	simm.s32 @!p1 $0x1082;
	[sflag:s4] =	ssyncset.s32 $0xFFFFF086  }
0x25: {  	[simem:s6], [sflag:s4] =	dma.local [hbm:s3], $0xF7A  }
0x26: {  	[smem:$0x3F9F] =	sst s1;
	(tag) =	ssettag s2;
	_ =	strace s9  }
0x27: {  	s1 =	sld [smem:$0x3FAF]  }
0x28: {  	s2 =	sld [smem:$0x3FB0]  }
0x29: {  	s4 =	sld [smem:$0x3FB2]  }
0x2a: {  	p0 =	seq.s32 s5, $0x0;
	s5 =	sld [smem:$0x3FB3]  }
0x2b: {  	s6 =	sld [smem:$0x3FB4]  }
0x2c: {  	s7 =	sld [smem:$0x3FB5]  }
0x2d: {  	s3 =	simm.s32 $0x108;
	s8 =	sld [smem:$0x3FB6]  }
0x2e: {  	s3 =	simm.s32 @!p0 $0x1082;
	s9 =	sld [smem:$0x3FB7]  }
0x2f: {  	lr =	sadd.s32 s0, s3;
	s0 =	sld [smem:$0x3FAE]  }
0x30: {  	s3 =	sld [smem:$0x3FB1]  }
0x31: {  	[smem:$0x3FBA] =	sst s10  }
0x32: {  	s10 =	sld [smem:$0x3FB8];
	_ =	sdelay $0x3  }
0x33: {  	p0 =	seq.s32 s10, $0x1;
	s10 =	sld [smem:$0x3FBA];
	_ =	sdelay $0x3  }
0x34: {  	[smem:$0x3FBA] =	sst s10  }
0x35: {  	s10 =	sld [smem:$0x3FB9];
	_ =	sdelay $0x3  }
0x36: {  	p1 =	seq.s32 s10, $0x1;
	s10 =	sld [smem:$0x3FBA];
	_ =	sdelay $0x3  }
0x37: {  	[smem:$0x3FBA] =	sst s10  }
0x38: {  	s10 =	sld [smem:$0x3FBB]  }
0x39: {  	_ = 	snop;
	(pc) =	sbr.ind lr, $3  }
0x3a: {  	_ = 	snop  }
0x3b: {  	_ = 	snop  }
0x3c: {  	p2 =	seq.s32 s10, $0x1;
	s10 =	sld [smem:$0x3FBA]  }
0x3d: {  	_ =	shalt  }
0x3e: {  	_ =	shalt  }
0x3f: {  	_ =	shalt  }
0x40: {  	_ =	shalt  }
0x41: {  	_ =	shalt  }
0x42: {  	_ =	shalt  }
0x43: {  	_ =	shalt  }
0x44: {  	_ =	shalt  }
0x45: {  	_ =	shalt  }
0x46: {  	_ =	shalt  }
0x47: {  	_ =	shalt  }
0x48: {  	_ =	shalt  }
0x49: {  	_ =	shalt  }
0x4a: {  	_ =	shalt  }
0x4b: {  	_ =	shalt  }
0x4c: {  	_ =	shalt  }
0x4d: {  	_ =	shalt  }
0x4e: {  	_ =	shalt  }
0x4f: {  	_ =	shalt  }
0x50: {  	_ =	shalt  }
0x51: {  	_ =	shalt  }
0x52: {  	_ =	shalt  }
0x53: {  	_ =	shalt  }
0x54: {  	_ =	shalt  }
0x55: {  	_ =	shalt  }
0x56: {  	_ =	shalt  }
0x57: {  	_ =	shalt  }
0x58: {  	_ =	shalt  }
0x59: {  	_ =	shalt  }
0x5a: {  	_ =	shalt  }
0x5b: {  	_ =	shalt  }
0x5c: {  	_ =	shalt  }
0x5d: {  	_ =	shalt  }
0x5e: {  	_ =	shalt  }
0x5f: {  	_ =	shalt  }
0x60: {  	_ =	shalt  }
0x61: {  	_ =	shalt  }
0x62: {  	_ =	shalt  }
0x63: {  	_ =	shalt  }
0x64: {  	_ =	shalt  }
0x65: {  	_ =	shalt  }
0x66: {  	_ =	shalt  }
0x67: {  	_ =	shalt  }
0x68: {  	_ =	shalt  }
0x69: {  	_ =	shalt  }
0x6a: {  	_ =	shalt  }
0x6b: {  	_ =	shalt  }
0x6c: {  	_ =	shalt  }
0x6d: {  	_ =	shalt  }
0x6e: {  	_ =	shalt  }
0x6f: {  	_ =	shalt  }
0x70: {  	_ =	shalt  }
0x71: {  	_ =	shalt  }
0x72: {  	_ =	shalt  }
0x73: {  	_ =	shalt  }
0x74: {  	_ =	shalt  }
0x75: {  	_ =	shalt  }
0x76: {  	_ =	shalt  }
0x77: {  	_ =	shalt  }
0x78: {  	_ =	shalt  }
0x79: {  	_ =	shalt  }
0x7a: {  	_ =	shalt  }
0x7b: {  	_ =	shalt  }
0x7c: {  	_ =	shalt  }
0x7d: {  	_ =	shalt  }
0x7e: {  	_ =	shalt  }
0x7f: {  	_ =	shalt  }
0x80: {  	_ =	shalt  }
0x81: {  	_ =	shalt  }
0x82: {  	_ =	shalt  }
0x83: {  	_ =	shalt  }
0x84: {  	_ =	shalt  }
0x85: {  	_ =	shalt  }
0x86: {  	_ =	shalt  }
0x87: {  	_ =	shalt  }
.Lfunc_end0:
.L_simem_size_0:
called_computation_lowered:
.L_overlay_start_0:
0x88: {  	s2 =	sld [smem:$0x3FD9]  }
0x89: {  	s3 =	sld [smem:$0x3FFE];
	_ =	sdelay $0x1  }
0x8a: {  	s1 =	srdreg.scid  }
0x8b: {  	s0 =	sand.u32 $0x1, s1  }
0x8c: {  	s18 =	sshll.u32 s0, $0xA;
	s2 =	sadd.s32 s3, s2  }
0x8d: {  	s2 =	sadd.s32 s2, s18  }
0x8e: {  	[smem:$0x3FC6] =	sst s2  }
0x8f: {  	_ = 	snop  }
0x90: {  	s2 =	sld [smem:$0x3FC9]  }
0x91: {  	s19 =	sld [smem:$0x3FC8]  }
0x92: {  	s4 =	sld [smem:$0x3FD0];
	(tm) =	ssettm $0x1  }
0x93: {  	s5 =	sld [smem:$0x3FFB];
	_ =	sdelay $0x3  }
0x94: {  	_ =	strace s5  }
0x95: {  	s5 =	sld [smem:$0x3FFC];
	_ =	sdelay $0x3  }
0x96: {  	_ =	strace s5  }
0x97: {  	s5 =	sld [smem:$0x3FFD];
	_ =	sdelay $0x3  }
0x98: {  	_ =	strace s5  }
0x99: {  	_ =	strace $0x8FFFFFFF  }
0x9a: {  	s20 =	sld [smem:$0x3FDB];
	_ =	sdelay $0x1  }
0x9b: {  	s6 =	simm.s32 $_scs_section_size  }
0x9c: {  	s7 =	simm.s32 $_size__tile_overlayer_lowered;
	s8 =	simm.s32 $_tile_overlayer_lowered  }
0x9d: {  	s23 =	simm.s32 $0x1BFF;
	s22 =	sshll.u32 s8, $0x1;
	s5 =	sadd.s32 s6, s20  }
0x9e: {  	s9 =	simm.s32 $0x0;
	s21 =	sshll.u32 s7, $0x1;
	s7 =	sadd.s32 s22, s5  }
0x9f: {  	[timem:s9], [sflag:s23] =	dma.local [hbm:s7], s21  }
0xa0: {  	_ =	swait.ge [sflag:s23], s21  }
0xa1: {  	s6 =	ssub.s32 $0x0, s21;
	[sflag:s23] =	ssyncset.done $0x0  }
0xa2: {  	[sflag:s23] =	ssyncadd.s32 s6;
	_ =	sdelay $0x1  }
0xa3: {  	s24 =	simm.s32 $0x1B8B  }
0xa4: {  	_ =	swait.ge [sflag:s24], $0x1  }
0xa5: {  	[sflag:s24] =	ssyncset.done $0x0  }
0xa6: {  	s25 =	simm.s32 $0x1B8E;
	[sflag:s24] =	ssyncadd.s32 $0xFFFFFFFF  }
0xa7: {  	s26 =	simm.s32 $execute0_lowered;
	[smem:$0x3FD2] =	sst s25  }
0xa8: {  	s6 =	sshll.u32 s26, $0x1;
	_ =	strace $0x80000046;
	[dreg:$0x1] =	wrdreg $0xFFFFFFFF  }
0xa9: {  	s28 =	simm.s32 $_size_execute0_lowered;
	s5 =	sadd.s32 s5, s6;
	[dreg:$0x0] =	wrdreg $0x0  }
0xaa: {  	s6 =	sshll.u32 s28, $0x1;
	[dreg:$0x2] =	wrdreg s5  }
0xab: {  	[dreg:$0x3] =	wrdreg s6  }
0xac: {  	[dreg:$0x4] =	wrdreg $0xC0  }
0xad: {  	_ =	task [dreg:s9], $0x5FFFF  }
0xae: {  	[dreg:$0x1] =	wrdreg $0xFFFFFFFF  }
0xaf: {  	[dreg:$0x0] =	wrdreg $0x60  }
0xb0: {  	[dreg:$0x2] =	wrdreg s2  }
0xb1: {  	[dreg:$0x3] =	wrdreg s19  }
0xb2: {  	[dreg:$0x4] =	wrdreg s4  }
0xb3: {  	[dreg:$0x5] =	wrdreg $0x9  }
0xb4: {  	_ =	task.clear_ibuf [dreg:s9], $0x6FFFF;
	_ =	strace $0x90000046  }
0xb5: {  	s29 =	simm.s32 $0x9;
	_ =	strace $0x80000048  }
0xb6: {  	_ =	swait.ge [sflag:s29], $0x1  }
0xb7: {  	[sflag:s29] =	ssyncadd.s32 $0xFFFFFFFF  }
0xb8: {  	_ =	strace $0x90000048  }
0xb9: {  	_ =	sfence  }
0xba: {  	s30 =	sld [smem:$0x0];
	_ =	sdelay $0x2  }
0xbb: {  	s31 =	sshll.u32 s1, $0xD;
	s1 =	sshrl.u32 s1, $0x2  }
0xbc: {  	s3 =	sand.u32 $0x4000, s31;
	s1 =	sadd.s32 s1, s30  }
0xbd: {  	s0 =	sor.u32 s3, s0;
	s1 =	sshll.u32 s1, $0x11  }
0xbe: {  	s0 =	sor.u32 s1, s0  }
0xbf: {  	s0 =	sadd.s32 $0x8F2B, s0  }
0xc0: {  	[sflag:s0] =	ssyncadd.remote.s32 $0x1  }
0xc1: {  	_ =	sfence.sel $0xFFFF  }
0xc2: {  	[dreg:$0x0] =	wrdreg $0xFFFFFFFF;
	(pc) =	sbr.abs _section_cstart, $3  }
0xc3: {  	[dreg:$0x1] =	wrdreg $0xFFFFFFFF  }
0xc4: {  	_ =	task.clear_ibuf [dreg:s9], $0x2FFFF;
	_ =	strace $0x9FFFFFFF  }
0xc5: {  	(tm) =	ssettm $0x7FFFFFFF  }
tec
execute0_lowered:
.L_overlay_start_1:
0x0: {  	(tag) =	ssettag $0x1  }
0x1: {  	s0 =	srdreg.scid;
	s1 =	stileid.u32  }
0x2: {  	s6 =	rddreg [dreg:$0x0];
	s0 =	sand.u32 $0x1, s0;
	s1 =	sshll.u32 s1, $0x1  }
0x3: {  	s3 =	rddreg [dreg:$0x1];
	s1 =	sor.u32 s0, s1  }
0x4: {  	s9 =	rddreg [dreg:$0x2];
	s5 =	simm.s32 $0x0;
	s2 =	sshll.u32 s1, $0x9  }
0x5: {  	[smem:$0x7FF] =	sst s5;
	s2 =	smin.u32 s2, $0x3DF8  }
0x6: {  	s28 =	sadd.s32 $0x100, s9;
	s30 =	sadd.s32 $0x200, s9;
	s2 =	sshrl.u32 s2, $0x3  }
0x7: {  	_ =	strace $0x80000047;
	[dreg:$0x15] =	wrdreg s28;
	s4 =	smul.u32 $0x300, s2  }
0x8: {  	[dreg:$0x16] =	wrdreg s30;
	s2 =	sadd.s32 s6, s2  }
0x9: {  	[dreg:$0x4] =	wrdreg s2;
	s12 =	sadd.s32 s9, s4  }
0xa: {  	s13 =	sadd.s32 $0xC00, s12;
	[dreg:$0x14] =	wrdreg s12  }
0xb: {  	s14 =	sadd.s32 $0x1800, s12;
	[dreg:$0x5] =	wrdreg s13  }
0xc: {  	s15 =	sadd.s32 $0x2400, s12;
	[dreg:$0x6] =	wrdreg s14  }
0xd: {  	s16 =	sadd.s32 $0x3000, s12;
	[dreg:$0x7] =	wrdreg s15  }
0xe: {  	s17 =	sadd.s32 $0x3C00, s12;
	[dreg:$0x8] =	wrdreg s16  }
0xf: {  	s18 =	sadd.s32 $0x4800, s12;
	[dreg:$0x9] =	wrdreg s17  }
0x10: {  	s19 =	sadd.s32 $0x5400, s12;
	[dreg:$0xa] =	wrdreg s18  }
0x11: {  	s7 =	sadd.s32 $0x100, s3;
	s20 =	sadd.s32 $0x6000, s12;
	[dreg:$0xb] =	wrdreg s19  }
0x12: {  	s8 =	sadd.s32 $0x200, s3;
	s21 =	sadd.s32 $0x6C00, s12;
	[dreg:$0xc] =	wrdreg s20  }
0x13: {  	s0 =	ssub.s32 $0x2, s0;
	s23 =	sadd.s32 $0x7800, s12;
	[dreg:$0xd] =	wrdreg s21  }
0x14: {  	s22 =	sshrl.u32 s0, $0x1;
	s24 =	sadd.s32 $0x8400, s12;
	[dreg:$0xe] =	wrdreg s23  }
0x15: {  	p0 =	sne.s32 s1, $0x1F;
	s25 =	sadd.s32 $0x9000, s12;
	[dreg:$0xf] =	wrdreg s24  }
0x16: {  	s0 =	ssub.s32 s0, s22;
	s26 =	sadd.s32 $0x9C00, s12;
	[dreg:$0x10] =	wrdreg s25  }
0x17: {  	s11 =	smax.u32 s0, $0x1;
	s29 =	sadd.s32 $0xA800, s12;
	[dreg:$0x11] =	wrdreg s26  }
0x18: {  	v2 =	vlaneseq.u32;
	s2 =	simm.s32 $0x12200;
	s31 =	sadd.s32 $0xB400, s12;
	[dreg:$0x12] =	wrdreg s29  }
0x19: {  	vm6 =	vmmov $0xffff;
	v1 =	vshrl.u32 v2, $0x3;
	v0 =	vand.u32 $0x7, v2;
	s9 =	simm.s32 $0x6200;
	[dreg:$0x13] =	wrdreg s31;
	s24 =	simm.s32 $0x1  }
0x1a: {  	v2 =	vor.u32 $0x8, v2;
	v1 =	vmul.u32 $0x8, v1;
	vm0 =	vcmask @!p0 $0x300;
	s14 =	simm.s32 $0x2;
	s15 =	simm.s32 $0x5;
	s16 =	simm.s32 $0x3  }
0x1b: {  	vm1 =	vcmask @!p0 $0x704;
	vm2 =	vcmask @!p0 $0xB08;
	vm3 =	vcmask @!p0 $0xF0C;
	s17 =	simm.s32 $0x6;
	s18 =	simm.s32 $0x4;
	s19 =	simm.s32 $0x7  }
0x1c: {  	vm4 =	vcmask @!p0 $0x1310;
	vm5 =	vcmask @!p0 $0x1714;
	vm7 =	vmmov @!p0 $0xffff;
	s20 =	simm.s32 $0x8;
	s25 =	simm.s32 $0x200;
	s26 =	simm.s32 $0xC200  }
.LBB2_1:
0x1d: {  	v3 =	vimm.s32 @!p0 $0x3FFE  }
0x1e: {  	v3 =	vsel @!p0 vm0, $0x3FF8, v3  }
0x1f: {  	s1 =	rddreg [dreg:$0x4];
	s0 =	simm.s32 $0xA;
	v3 =	vsel @!p0 vm1, $0x3FF9, v3  }
0x20: {  	[tilespmem:s5], [sflag:$0xA] =	stream.linear.gather [hbm4b:s1+s5], $0x200, $0x38;
	v3 =	vsel @!p0 vm2, $0x3FFA, v3;
	[tilespmem:$0x1B300] =	vst v63  }
0x21: {  	_ =	swait.ge [sflag:s0], $0x200;
	v3 =	vsel @!p0 vm3, $0x3FFB, v3  }
0x22: {  	[sflag:s0] =	ssyncset.done $0x0;
	v3 =	vsel @!p0 vm4, $0x3FFC, v3  }
0x23: {  	s21 =	simm.s32 @!p0 $0x18200;
	[sflag:s0] =	ssyncadd.s32 $0xFFFFFE00;
	v3 =	vsel @!p0 vm5, $0x3FFD, v3  }
0x24: {  	s22 =	simm.s32 @!p0 $0x18280;
	s1 =	simm.s32 @!p0 $0x10;
	s0 =	rddreg [dreg:$0x0];
	[tilespmem:$0x18200] =	vst @!p0 v3  }
0x25: {  	[tilespmem:s22], [sflag:$0x9] =	stream.indirect.gather @!p0 [hbm4b:s0+s1], $0x1, s21, s1, $0xb8;
	[tilespmem:$0x1B300] =	vst v63  }
0x26: {  	v3 =	vld [tilespmem:$0x0];
	_ =	sdelay $0x4  }
0x27: {  	vm8 =	vgt.s32 v3, $0xFFFFE000  }
0x28: {  	v3 =	vnsel vm8, $0xFFFFE000, v3  }
0x29: {  	vm8 =	vlt.s32 v3, $0x1FFF  }
0x2a: {  	v3 =	vnsel vm8, $0x1FFF, v3  }
0x2b: {  	v4 =	vadd.s32 $0x2000, v3  }
0x2c: {  	v5 =	vld [tilespmem:$0x10];
	v6 =	vshrl.u32 v4, $0x3  }
0x2d: {  	v6 =	vmul.u32 $0x30, v6  }
0x2e: {  	v3 =	vand.u32 $0x7, v3  }
0x2f: {  	v3 =	vor.u32 v3, v6  }
0x30: {  	v6 =	vperm.xlane v3, v0  }
0x31: {  	vm8 =	vgt.s32 v5, $0xFFFFE000  }
0x32: {  	v5 =	vnsel vm8, $0xFFFFE000, v5;
	v6 =	vadd.s32 v1, v6  }
0x33: {  	vm8 =	vlt.s32 v5, $0x1FFF  }
0x34: {  	v5 =	vnsel vm8, $0x1FFF, v5  }
0x35: {  	[tilespmem:$0x0] =	vst v4;
	v38 =	vadd.s32 $0x2000, v5  }
0x36: {  	[tilespmem:$0x10] =	vst v38;
	v3 =	vperm.xlane v3, v2  }
0x37: {  	[tilespmem:s25], [sflag:$0x1] =	stream.indirect_vreg.gather [hbm4b:s3+s5], $0x80, v6, vm6, $0xb8;
	[tilespmem:$0x1B300] =	vst v63  }
0x38: {  	s4 =	simm.s32 $0xA00;
	v3 =	vadd.s32 v1, v3  }
0x39: {  	[tilespmem:s4], [sflag:$0x1] =	stream.indirect_vreg.gather [hbm4b:s7+s5], $0x80, v6, vm6, $0xb8;
	[tilespmem:$0x1B300] =	vst v63  }
0x3a: {  	s6 =	simm.s32 $0x1200  }
0x3b: {  	[tilespmem:s6], [sflag:$0x1] =	stream.indirect_vreg.gather [hbm4b:s8+s5], $0x80, v6, vm6, $0xb8;
	[tilespmem:$0x1B300] =	vst v63  }
0x3c: {  	s10 =	simm.s32 $0x1A00  }
0x3d: {  	[tilespmem:s10], [sflag:$0x1] =	stream.indirect_vreg.gather [hbm4b:s3+s5], $0x80, v3, vm6, $0xb8;
	[tilespmem:$0x1B300] =	vst v63  }
0x3e: {  	s12 =	simm.s32 $0x2200  }
0x3f: {  	[tilespmem:s12], [sflag:$0x1] =	stream.indirect_vreg.gather [hbm4b:s7+s5], $0x80, v3, vm6, $0xb8;
	[tilespmem:$0x1B300] =	vst v63  }
0x40: {  	s13 =	simm.s32 $0x2A00  }
0x41: {  	[tilespmem:s13], [sflag:$0x1] =	stream.indirect_vreg.gather [hbm4b:s8+s5], $0x80, v3, vm6, $0xb8;
	[tilespmem:$0x1B300] =	vst v63  }
0x42: {  	v3 =	vld [tilespmem:$0x10];
	_ =	sdelay $0x4  }
0x43: {  	v39 =	vshrl.u32 v3, $0x3  }
0x44: {  	v4 =	vmul.u32 $0x30, v39  }
0x45: {  	v3 =	vand.u32 $0x7, v3  }
0x46: {  	v3 =	vor.u32 v3, v4  }
0x47: {  	v4 =	vperm.xlane v3, v0;
	_ =	sdelay $0x1  }
0x48: {  	v4 =	vadd.s32 v1, v4;
	_ =	sdelay $0x3  }
0x49: {  	s21 =	simm.s32 $0x3200;
	v3 =	vperm.xlane v3, v2  }
0x4a: {  	[tilespmem:s21], [sflag:$0x1] =	stream.indirect_vreg.gather [hbm4b:s3+s5], $0x80, v4, vm6, $0xb8;
	[tilespmem:$0x1B300] =	vst v63  }
0x4b: {  	s22 =	simm.s32 $0x3A00;
	v3 =	vadd.s32 v1, v3  }
0x4c: {  	[tilespmem:s22], [sflag:$0x1] =	stream.indirect_vreg.gather [hbm4b:s7+s5], $0x80, v4, vm6, $0xb8;
	[tilespmem:$0x1B300] =	vst v63  }
0x4d: {  	s23 =	simm.s32 $0x4200  }
0x4e: {  	[tilespmem:s23], [sflag:$0x1] =	stream.indirect_vreg.gather [hbm4b:s8+s5], $0x80, v4, vm6, $0xb8;
	[tilespmem:$0x1B300] =	vst v63  }
0x4f: {  	s31 =	simm.s32 $0x4A00  }
0x50: {  	[tilespmem:s31], [sflag:$0x1] =	stream.indirect_vreg.gather [hbm4b:s3+s5], $0x80, v3, vm6, $0xb8;
	[tilespmem:$0x1B300] =	vst v63  }
0x51: {  	s1 =	simm.s32 $0x5200  }
0x52: {  	[tilespmem:s1], [sflag:$0x1] =	stream.indirect_vreg.gather [hbm4b:s7+s5], $0x80, v3, vm6, $0xb8;
	[tilespmem:$0x1B300] =	vst v63  }
0x53: {  	s10 =	simm.s32 $0x5A00  }
0x54: {  	[tilespmem:s10], [sflag:$0x1] =	stream.indirect_vreg.gather [hbm4b:s8+s5], $0x80, v3, vm6, $0xb8;
	[tilespmem:$0x1B300] =	vst v63  }
0x55: {  	v3 =	vld [tilespmem:$0x20];
	_ =	sdelay $0x4  }
0x56: {  	vm8 =	vgt.s32 v3, $0xFFFFE000  }
0x57: {  	v3 =	vnsel vm8, $0xFFFFE000, v3  }
0x58: {  	vm8 =	vlt.s32 v3, $0x1FFF  }
0x59: {  	v3 =	vnsel vm8, $0x1FFF, v3  }
0x5a: {  	v40 =	vadd.s32 $0x2000, v3  }
0x5b: {  	v41 =	vld [tilespmem:$0x30];
	v42 =	vshrl.u32 v40, $0x3  }
0x5c: {  	v6 =	vmul.u32 $0x30, v42  }
0x5d: {  	v3 =	vand.u32 $0x7, v3  }
0x5e: {  	v3 =	vor.u32 v3, v6  }
0x5f: {  	v6 =	vperm.xlane v3, v0  }
0x60: {  	vm8 =	vgt.s32 v41, $0xFFFFE000  }
0x61: {  	v5 =	vnsel vm8, $0xFFFFE000, v41;
	v6 =	vadd.s32 v1, v6  }
0x62: {  	vm8 =	vlt.s32 v5, $0x1FFF  }
0x63: {  	v5 =	vnsel vm8, $0x1FFF, v5  }
0x64: {  	[tilespmem:$0x20] =	vst v40;
	v43 =	vadd.s32 $0x2000, v5  }
0x65: {  	[tilespmem:$0x30] =	vst v43;
	v3 =	vperm.xlane v3, v2  }
0x66: {  	[tilespmem:s9], [sflag:$0x2] =	stream.indirect_vreg.gather [hbm4b:s3+s5], $0x80, v6, vm6, $0xb8;
	[tilespmem:$0x1B300] =	vst v63  }
0x67: {  	s31 =	simm.s32 $0x6A00;
	v3 =	vadd.s32 v1, v3  }
0x68: {  	[tilespmem:s31], [sflag:$0x2] =	stream.indirect_vreg.gather [hbm4b:s7+s5], $0x80, v6, vm6, $0xb8;
	[tilespmem:$0x1B300] =	vst v63  }
0x69: {  	s1 =	simm.s32 $0x7200  }
0x6a: {  	[tilespmem:s1], [sflag:$0x2] =	stream.indirect_vreg.gather [hbm4b:s8+s5], $0x80, v6, vm6, $0xb8;
	[tilespmem:$0x1B300] =	vst v63  }
0x6b: {  	s31 =	simm.s32 $0x7A00  }
0x6c: {  	[tilespmem:s31], [sflag:$0x2] =	stream.indirect_vreg.gather [hbm4b:s3+s5], $0x80, v3, vm6, $0xb8;
	[tilespmem:$0x1B300] =	vst v63  }
0x6d: {  	s1 =	simm.s32 $0x8200  }
0x6e: {  	[tilespmem:s1], [sflag:$0x2] =	stream.indirect_vreg.gather [hbm4b:s7+s5], $0x80, v3, vm6, $0xb8;
	[tilespmem:$0x1B300] =	vst v63  }
0x6f: {  	s31 =	simm.s32 $0x8A00  }
0x70: {  	[tilespmem:s31], [sflag:$0x2] =	stream.indirect_vreg.gather [hbm4b:s8+s5], $0x80, v3, vm6, $0xb8;
	[tilespmem:$0x1B300] =	vst v63  }
0x71: {  	v3 =	vld [tilespmem:$0x30];
	_ =	sdelay $0x4  }
0x72: {  	v44 =	vshrl.u32 v3, $0x3  }
0x73: {  	v4 =	vmul.u32 $0x30, v44  }
0x74: {  	v3 =	vand.u32 $0x7, v3  }
0x75: {  	v3 =	vor.u32 v3, v4  }
0x76: {  	v4 =	vperm.xlane v3, v0;
	_ =	sdelay $0x1  }
0x77: {  	v4 =	vadd.s32 v1, v4;
	_ =	sdelay $0x3  }
0x78: {  	s1 =	simm.s32 $0x9200;
	v3 =	vperm.xlane v3, v2  }
0x79: {  	[tilespmem:s1], [sflag:$0x2] =	stream.indirect_vreg.gather [hbm4b:s3+s5], $0x80, v4, vm6, $0xb8;
	[tilespmem:$0x1B300] =	vst v63  }
0x7a: {  	s31 =	simm.s32 $0x9A00;
	v3 =	vadd.s32 v1, v3  }
0x7b: {  	[tilespmem:s31], [sflag:$0x2] =	stream.indirect_vreg.gather [hbm4b:s7+s5], $0x80, v4, vm6, $0xb8;
	[tilespmem:$0x1B300] =	vst v63  }
0x7c: {  	s1 =	simm.s32 $0xA200  }
0x7d: {  	[tilespmem:s1], [sflag:$0x2] =	stream.indirect_vreg.gather [hbm4b:s8+s5], $0x80, v4, vm6, $0xb8;
	[tilespmem:$0x1B300] =	vst v63  }
0x7e: {  	s31 =	simm.s32 $0xAA00  }
0x7f: {  	[tilespmem:s31], [sflag:$0x2] =	stream.indirect_vreg.gather [hbm4b:s3+s5], $0x80, v3, vm6, $0xb8;
	[tilespmem:$0x1B300] =	vst v63  }
0x80: {  	s1 =	simm.s32 $0xB200  }
0x81: {  	[tilespmem:s1], [sflag:$0x2] =	stream.indirect_vreg.gather [hbm4b:s7+s5], $0x80, v3, vm6, $0xb8;
	[tilespmem:$0x1B300] =	vst v63  }
0x82: {  	s31 =	simm.s32 $0xBA00  }
0x83: {  	[tilespmem:s31], [sflag:$0x2] =	stream.indirect_vreg.gather [hbm4b:s8+s5], $0x80, v3, vm6, $0xb8;
	[tilespmem:$0x1B300] =	vst v63  }
0x84: {  	v3 =	vld [tilespmem:$0x40];
	_ =	sdelay $0x4  }
0x85: {  	vm8 =	vgt.s32 v3, $0xFFFFE000  }
0x86: {  	v3 =	vnsel vm8, $0xFFFFE000, v3  }
0x87: {  	vm8 =	vlt.s32 v3, $0x1FFF  }
0x88: {  	v3 =	vnsel vm8, $0x1FFF, v3  }
0x89: {  	v45 =	vadd.s32 $0x2000, v3  }
0x8a: {  	v46 =	vld [tilespmem:$0x50];
	v47 =	vshrl.u32 v45, $0x3  }
0x8b: {  	v6 =	vmul.u32 $0x30, v47  }
0x8c: {  	v3 =	vand.u32 $0x7, v3  }
0x8d: {  	v3 =	vor.u32 v3, v6  }
0x8e: {  	v6 =	vperm.xlane v3, v0  }
0x8f: {  	vm8 =	vgt.s32 v46, $0xFFFFE000  }
0x90: {  	v5 =	vnsel vm8, $0xFFFFE000, v46;
	v6 =	vadd.s32 v1, v6  }
0x91: {  	vm8 =	vlt.s32 v5, $0x1FFF  }
0x92: {  	v5 =	vnsel vm8, $0x1FFF, v5  }
0x93: {  	[tilespmem:$0x40] =	vst v45;
	v48 =	vadd.s32 $0x2000, v5  }
0x94: {  	[tilespmem:$0x50] =	vst v48;
	v3 =	vperm.xlane v3, v2  }
0x95: {  	[tilespmem:s26], [sflag:$0x3] =	stream.indirect_vreg.gather [hbm4b:s3+s5], $0x80, v6, vm6, $0xb8;
	[tilespmem:$0x1B300] =	vst v63  }
0x96: {  	s1 =	simm.s32 $0xCA00;
	v3 =	vadd.s32 v1, v3  }
0x97: {  	[tilespmem:s1], [sflag:$0x3] =	stream.indirect_vreg.gather [hbm4b:s7+s5], $0x80, v6, vm6, $0xb8;
	[tilespmem:$0x1B300] =	vst v63  }
0x98: {  	s1 =	simm.s32 $0xD200  }
0x99: {  	[tilespmem:s1], [sflag:$0x3] =	stream.indirect_vreg.gather [hbm4b:s8+s5], $0x80, v6, vm6, $0xb8;
	[tilespmem:$0x1B300] =	vst v63  }
0x9a: {  	s1 =	simm.s32 $0xDA00  }
0x9b: {  	[tilespmem:s1], [sflag:$0x3] =	stream.indirect_vreg.gather [hbm4b:s3+s5], $0x80, v3, vm6, $0xb8;
	[tilespmem:$0x1B300] =	vst v63  }
0x9c: {  	s1 =	simm.s32 $0xE200  }
0x9d: {  	[tilespmem:s1], [sflag:$0x3] =	stream.indirect_vreg.gather [hbm4b:s7+s5], $0x80, v3, vm6, $0xb8;
	[tilespmem:$0x1B300] =	vst v63  }
0x9e: {  	s1 =	simm.s32 $0xEA00  }
0x9f: {  	[tilespmem:s1], [sflag:$0x3] =	stream.indirect_vreg.gather [hbm4b:s8+s5], $0x80, v3, vm6, $0xb8;
	[tilespmem:$0x1B300] =	vst v63  }
0xa0: {  	v3 =	vld [tilespmem:$0x50];
	_ =	sdelay $0x4  }
0xa1: {  	v49 =	vshrl.u32 v3, $0x3  }
0xa2: {  	v4 =	vmul.u32 $0x30, v49  }
0xa3: {  	v3 =	vand.u32 $0x7, v3  }
0xa4: {  	v3 =	vor.u32 v3, v4  }
0xa5: {  	v4 =	vperm.xlane v3, v0;
	_ =	sdelay $0x1  }
0xa6: {  	v4 =	vadd.s32 v1, v4;
	_ =	sdelay $0x3  }
0xa7: {  	s1 =	simm.s32 $0xF200;
	v3 =	vperm.xlane v3, v2  }
0xa8: {  	[tilespmem:s1], [sflag:$0x3] =	stream.indirect_vreg.gather [hbm4b:s3+s5], $0x80, v4, vm6, $0xb8;
	[tilespmem:$0x1B300] =	vst v63  }
0xa9: {  	v3 =	vadd.s32 v1, v3;
	s1 =	simm.s32 $0xFA00  }
0xaa: {  	[tilespmem:s1], [sflag:$0x3] =	stream.indirect_vreg.gather [hbm4b:s7+s5], $0x80, v4, vm6, $0xb8;
	[tilespmem:$0x1B300] =	vst v63  }
0xab: {  	s1 =	simm.s32 $0x10200  }
0xac: {  	[tilespmem:s1], [sflag:$0x3] =	stream.indirect_vreg.gather [hbm4b:s8+s5], $0x80, v4, vm6, $0xb8;
	[tilespmem:$0x1B300] =	vst v63  }
0xad: {  	s1 =	simm.s32 $0x10A00  }
0xae: {  	[tilespmem:s1], [sflag:$0x3] =	stream.indirect_vreg.gather [hbm4b:s3+s5], $0x80, v3, vm6, $0xb8;
	[tilespmem:$0x1B300] =	vst v63  }
0xaf: {  	s1 =	simm.s32 $0x11200  }
0xb0: {  	[tilespmem:s1], [sflag:$0x3] =	stream.indirect_vreg.gather [hbm4b:s7+s5], $0x80, v3, vm6, $0xb8;
	[tilespmem:$0x1B300] =	vst v63  }
0xb1: {  	s1 =	simm.s32 $0x11A00  }
0xb2: {  	[tilespmem:s1], [sflag:$0x3] =	stream.indirect_vreg.gather [hbm4b:s8+s5], $0x80, v3, vm6, $0xb8;
	[tilespmem:$0x1B300] =	vst v63  }
0xb3: {  	_ =	swait.ge [sflag:s24], $0x6000  }
0xb4: {  	[sflag:s24] =	ssyncset.done $0x0  }
0xb5: {  	s1 =	rddreg [dreg:$0x14];
	[sflag:s24] =	ssyncadd.s32 $0xFFFFA000  }
0xb6: {  	[hbm4b:s1+s5] =	stream.linear.scatter [tilespmem:s25], [sflag:$0x5], $0x6000, $0x38;
	[tilespmem:$0x1B300] =	vst v63  }
0xb7: {  	v3 =	vld [tilespmem:$0x60];
	_ =	sdelay $0x4  }
0xb8: {  	vm8 =	vgt.s32 v3, $0xFFFFE000  }
0xb9: {  	v3 =	vnsel vm8, $0xFFFFE000, v3  }
0xba: {  	vm8 =	vlt.s32 v3, $0x1FFF  }
0xbb: {  	v3 =	vnsel vm8, $0x1FFF, v3  }
0xbc: {  	v50 =	vadd.s32 $0x2000, v3  }
0xbd: {  	v51 =	vld [tilespmem:$0x70];
	v52 =	vshrl.u32 v50, $0x3  }
0xbe: {  	v6 =	vmul.u32 $0x30, v52  }
0xbf: {  	v3 =	vand.u32 $0x7, v3  }
0xc0: {  	v3 =	vor.u32 v3, v6  }
0xc1: {  	v6 =	vperm.xlane v3, v0  }
0xc2: {  	vm8 =	vgt.s32 v51, $0xFFFFE000  }
0xc3: {  	v5 =	vnsel vm8, $0xFFFFE000, v51;
	v6 =	vadd.s32 v1, v6  }
0xc4: {  	vm8 =	vlt.s32 v5, $0x1FFF  }
0xc5: {  	v5 =	vnsel vm8, $0x1FFF, v5  }
0xc6: {  	[tilespmem:$0x60] =	vst v50;
	v53 =	vadd.s32 $0x2000, v5  }
0xc7: {  	[tilespmem:$0x70] =	vst v53;
	v3 =	vperm.xlane v3, v2  }
0xc8: {  	[tilespmem:s2], [sflag:$0x4] =	stream.indirect_vreg.gather [hbm4b:s3+s5], $0x80, v6, vm6, $0xb8;
	[tilespmem:$0x1B300] =	vst v63  }
0xc9: {  	s1 =	simm.s32 $0x12A00;
	v3 =	vadd.s32 v1, v3  }
0xca: {  	[tilespmem:s1], [sflag:$0x4] =	stream.indirect_vreg.gather [hbm4b:s7+s5], $0x80, v6, vm6, $0xb8;
	[tilespmem:$0x1B300] =	vst v63  }
0xcb: {  	s1 =	simm.s32 $0x13200  }
0xcc: {  	[tilespmem:s1], [sflag:$0x4] =	stream.indirect_vreg.gather [hbm4b:s8+s5], $0x80, v6, vm6, $0xb8;
	[tilespmem:$0x1B300] =	vst v63  }
0xcd: {  	s1 =	simm.s32 $0x13A00  }
0xce: {  	[tilespmem:s1], [sflag:$0x4] =	stream.indirect_vreg.gather [hbm4b:s3+s5], $0x80, v3, vm6, $0xb8;
	[tilespmem:$0x1B300] =	vst v63  }
0xcf: {  	s1 =	simm.s32 $0x14200  }
0xd0: {  	[tilespmem:s1], [sflag:$0x4] =	stream.indirect_vreg.gather [hbm4b:s7+s5], $0x80, v3, vm6, $0xb8;
	[tilespmem:$0x1B300] =	vst v63  }
0xd1: {  	s1 =	simm.s32 $0x14A00  }
0xd2: {  	[tilespmem:s1], [sflag:$0x4] =	stream.indirect_vreg.gather [hbm4b:s8+s5], $0x80, v3, vm6, $0xb8;
	[tilespmem:$0x1B300] =	vst v63  }
0xd3: {  	v3 =	vld [tilespmem:$0x70];
	_ =	sdelay $0x4  }
0xd4: {  	v54 =	vshrl.u32 v3, $0x3  }
0xd5: {  	v4 =	vmul.u32 $0x30, v54  }
0xd6: {  	v3 =	vand.u32 $0x7, v3  }
0xd7: {  	v3 =	vor.u32 v3, v4  }
0xd8: {  	v4 =	vperm.xlane v3, v0;
	_ =	sdelay $0x1  }
0xd9: {  	v4 =	vadd.s32 v1, v4;
	_ =	sdelay $0x3  }
0xda: {  	s1 =	simm.s32 $0x15200;
	v3 =	vperm.xlane v3, v2  }
0xdb: {  	[tilespmem:s1], [sflag:$0x4] =	stream.indirect_vreg.gather [hbm4b:s3+s5], $0x80, v4, vm6, $0xb8;
	[tilespmem:$0x1B300] =	vst v63  }
0xdc: {  	v3 =	vadd.s32 v1, v3;
	s1 =	simm.s32 $0x15A00  }
0xdd: {  	[tilespmem:s1], [sflag:$0x4] =	stream.indirect_vreg.gather [hbm4b:s7+s5], $0x80, v4, vm6, $0xb8;
	[tilespmem:$0x1B300] =	vst v63  }
0xde: {  	s1 =	simm.s32 $0x16200  }
0xdf: {  	[tilespmem:s1], [sflag:$0x4] =	stream.indirect_vreg.gather [hbm4b:s8+s5], $0x80, v4, vm6, $0xb8;
	[tilespmem:$0x1B300] =	vst v63  }
0xe0: {  	s1 =	simm.s32 $0x16A00  }
0xe1: {  	[tilespmem:s1], [sflag:$0x4] =	stream.indirect_vreg.gather [hbm4b:s3+s5], $0x80, v3, vm6, $0xb8;
	[tilespmem:$0x1B300] =	vst v63  }
0xe2: {  	s1 =	simm.s32 $0x17200  }
0xe3: {  	[tilespmem:s1], [sflag:$0x4] =	stream.indirect_vreg.gather [hbm4b:s7+s5], $0x80, v3, vm6, $0xb8;
	[tilespmem:$0x1B300] =	vst v63  }
0xe4: {  	s1 =	simm.s32 $0x17A00  }
0xe5: {  	[tilespmem:s1], [sflag:$0x4] =	stream.indirect_vreg.gather [hbm4b:s8+s5], $0x80, v3, vm6, $0xb8;
	[tilespmem:$0x1B300] =	vst v63  }
0xe6: {  	_ =	swait.ge [sflag:s14], $0x6000  }
0xe7: {  	[sflag:s14] =	ssyncset.done $0x0  }
0xe8: {  	s1 =	rddreg [dreg:$0x5];
	[sflag:s14] =	ssyncadd.s32 $0xFFFFA000  }
0xe9: {  	[hbm4b:s1+s5] =	stream.linear.scatter [tilespmem:s9], [sflag:$0x6], $0x6000, $0x38;
	[tilespmem:$0x1B300] =	vst v63  }
0xea: {  	_ =	swait.ge [sflag:s15], $0x6000  }
0xeb: {  	[sflag:s15] =	ssyncset.done $0x0  }
0xec: {  	[sflag:s15] =	ssyncadd.s32 $0xFFFFA000  }
0xed: {  	v3 =	vld [tilespmem:$0x80];
	_ =	sdelay $0x4  }
0xee: {  	vm8 =	vgt.s32 v3, $0xFFFFE000  }
0xef: {  	v3 =	vnsel vm8, $0xFFFFE000, v3  }
0xf0: {  	vm8 =	vlt.s32 v3, $0x1FFF  }
0xf1: {  	v3 =	vnsel vm8, $0x1FFF, v3  }
0xf2: {  	v55 =	vadd.s32 $0x2000, v3  }
0xf3: {  	v56 =	vld [tilespmem:$0x90];
	v57 =	vshrl.u32 v55, $0x3  }
0xf4: {  	v6 =	vmul.u32 $0x30, v57  }
0xf5: {  	v3 =	vand.u32 $0x7, v3  }
0xf6: {  	v3 =	vor.u32 v3, v6  }
0xf7: {  	v6 =	vperm.xlane v3, v0  }
0xf8: {  	vm8 =	vgt.s32 v56, $0xFFFFE000  }
0xf9: {  	v5 =	vnsel vm8, $0xFFFFE000, v56;
	v6 =	vadd.s32 v1, v6  }
0xfa: {  	vm8 =	vlt.s32 v5, $0x1FFF  }
0xfb: {  	v5 =	vnsel vm8, $0x1FFF, v5  }
0xfc: {  	[tilespmem:$0x80] =	vst v55;
	v58 =	vadd.s32 $0x2000, v5  }
0xfd: {  	[tilespmem:$0x90] =	vst v58;
	v3 =	vperm.xlane v3, v2  }
0xfe: {  	[tilespmem:s25], [sflag:$0x1] =	stream.indirect_vreg.gather [hbm4b:s3+s5], $0x80, v6, vm6, $0xb8;
	[tilespmem:$0x1B300] =	vst v63  }
0xff: {  	s28 =	simm.s32 $0xA00;
	v3 =	vadd.s32 v1, v3  }
0x100: {  	[tilespmem:s28], [sflag:$0x1] =	stream.indirect_vreg.gather [hbm4b:s7+s5], $0x80, v6, vm6, $0xb8;
	[tilespmem:$0x1B300] =	vst v63  }
0x101: {  	s29 =	simm.s32 $0x1200  }
0x102: {  	[tilespmem:s29], [sflag:$0x1] =	stream.indirect_vreg.gather [hbm4b:s8+s5], $0x80, v6, vm6, $0xb8;
	[tilespmem:$0x1B300] =	vst v63  }
0x103: {  	s30 =	simm.s32 $0x1A00  }
0x104: {  	[tilespmem:s30], [sflag:$0x1] =	stream.indirect_vreg.gather [hbm4b:s3+s5], $0x80, v3, vm6, $0xb8;
	[tilespmem:$0x1B300] =	vst v63  }
0x105: {  	s12 =	simm.s32 $0x2200  }
0x106: {  	[tilespmem:s12], [sflag:$0x1] =	stream.indirect_vreg.gather [hbm4b:s7+s5], $0x80, v3, vm6, $0xb8;
	[tilespmem:$0x1B300] =	vst v63  }
0x107: {  	s4 =	simm.s32 $0x2A00  }
0x108: {  	[tilespmem:s4], [sflag:$0x1] =	stream.indirect_vreg.gather [hbm4b:s8+s5], $0x80, v3, vm6, $0xb8;
	[tilespmem:$0x1B300] =	vst v63  }
0x109: {  	v3 =	vld [tilespmem:$0x90];
	_ =	sdelay $0x4  }
0x10a: {  	v59 =	vshrl.u32 v3, $0x3  }
0x10b: {  	v4 =	vmul.u32 $0x30, v59  }
0x10c: {  	v3 =	vand.u32 $0x7, v3  }
0x10d: {  	v3 =	vor.u32 v3, v4  }
0x10e: {  	v4 =	vperm.xlane v3, v0;
	_ =	sdelay $0x1  }
0x10f: {  	v4 =	vadd.s32 v1, v4;
	_ =	sdelay $0x3  }
0x110: {  	s6 =	simm.s32 $0x3200;
	v3 =	vperm.xlane v3, v2  }
0x111: {  	[tilespmem:s6], [sflag:$0x1] =	stream.indirect_vreg.gather [hbm4b:s3+s5], $0x80, v4, vm6, $0xb8;
	[tilespmem:$0x1B300] =	vst v63  }
0x112: {  	s13 =	simm.s32 $0x3A00;
	v3 =	vadd.s32 v1, v3  }
0x113: {  	[tilespmem:s13], [sflag:$0x1] =	stream.indirect_vreg.gather [hbm4b:s7+s5], $0x80, v4, vm6, $0xb8;
	[tilespmem:$0x1B300] =	vst v63  }
0x114: {  	s21 =	simm.s32 $0x4200  }
0x115: {  	[tilespmem:s21], [sflag:$0x1] =	stream.indirect_vreg.gather [hbm4b:s8+s5], $0x80, v4, vm6, $0xb8;
	[tilespmem:$0x1B300] =	vst v63  }
0x116: {  	s22 =	simm.s32 $0x4A00  }
0x117: {  	[tilespmem:s22], [sflag:$0x1] =	stream.indirect_vreg.gather [hbm4b:s3+s5], $0x80, v3, vm6, $0xb8;
	[tilespmem:$0x1B300] =	vst v63  }
0x118: {  	s23 =	simm.s32 $0x5200  }
0x119: {  	[tilespmem:s23], [sflag:$0x1] =	stream.indirect_vreg.gather [hbm4b:s7+s5], $0x80, v3, vm6, $0xb8;
	[tilespmem:$0x1B300] =	vst v63  }
0x11a: {  	s10 =	simm.s32 $0x5A00  }
0x11b: {  	[tilespmem:s10], [sflag:$0x1] =	stream.indirect_vreg.gather [hbm4b:s8+s5], $0x80, v3, vm6, $0xb8;
	[tilespmem:$0x1B300] =	vst v63  }
0x11c: {  	_ =	swait.ge [sflag:s16], $0x6000  }
0x11d: {  	[sflag:s16] =	ssyncset.done $0x0  }
0x11e: {  	s29 =	rddreg [dreg:$0x6];
	[sflag:s16] =	ssyncadd.s32 $0xFFFFA000  }
0x11f: {  	[hbm4b:s29+s5] =	stream.linear.scatter [tilespmem:s26], [sflag:$0x7], $0x6000, $0x38;
	[tilespmem:$0x1B300] =	vst v63  }
0x120: {  	_ =	swait.ge [sflag:s17], $0x6000  }
0x121: {  	[sflag:s17] =	ssyncset.done $0x0  }
0x122: {  	[sflag:s17] =	ssyncadd.s32 $0xFFFFA000  }
0x123: {  	v3 =	vld [tilespmem:$0xA0];
	_ =	sdelay $0x4  }
0x124: {  	vm8 =	vgt.s32 v3, $0xFFFFE000  }
0x125: {  	v3 =	vnsel vm8, $0xFFFFE000, v3  }
0x126: {  	vm8 =	vlt.s32 v3, $0x1FFF  }
0x127: {  	v3 =	vnsel vm8, $0x1FFF, v3  }
0x128: {  	v60 =	vadd.s32 $0x2000, v3  }
0x129: {  	v61 =	vld [tilespmem:$0xB0];
	v62 =	vshrl.u32 v60, $0x3  }
0x12a: {  	v6 =	vmul.u32 $0x30, v62  }
0x12b: {  	v3 =	vand.u32 $0x7, v3  }
0x12c: {  	v3 =	vor.u32 v3, v6  }
0x12d: {  	v6 =	vperm.xlane v3, v0  }
0x12e: {  	vm8 =	vgt.s32 v61, $0xFFFFE000  }
0x12f: {  	v5 =	vnsel vm8, $0xFFFFE000, v61;
	v6 =	vadd.s32 v1, v6  }
0x130: {  	vm8 =	vlt.s32 v5, $0x1FFF  }
0x131: {  	v5 =	vnsel vm8, $0x1FFF, v5  }
0x132: {  	[tilespmem:$0xA0] =	vst v60;
	v63 =	vadd.s32 $0x2000, v5  }
0x133: {  	[tilespmem:$0xB0] =	vst v63;
	v3 =	vperm.xlane v3, v2  }
0x134: {  	[tilespmem:s9], [sflag:$0x2] =	stream.indirect_vreg.gather [hbm4b:s3+s5], $0x80, v6, vm6, $0xb8;
	[tilespmem:$0x1B300] =	vst v63  }
0x135: {  	s12 =	simm.s32 $0x6A00;
	v3 =	vadd.s32 v1, v3  }
0x136: {  	[tilespmem:s12], [sflag:$0x2] =	stream.indirect_vreg.gather [hbm4b:s7+s5], $0x80, v6, vm6, $0xb8;
	[tilespmem:$0x1B300] =	vst v63  }
0x137: {  	s13 =	simm.s32 $0x7200  }
0x138: {  	[tilespmem:s13], [sflag:$0x2] =	stream.indirect_vreg.gather [hbm4b:s8+s5], $0x80, v6, vm6, $0xb8;
	[tilespmem:$0x1B300] =	vst v63  }
0x139: {  	s21 =	simm.s32 $0x7A00  }
0x13a: {  	[tilespmem:s21], [sflag:$0x2] =	stream.indirect_vreg.gather [hbm4b:s3+s5], $0x80, v3, vm6, $0xb8;
	[tilespmem:$0x1B300] =	vst v63  }
0x13b: {  	s22 =	simm.s32 $0x8200  }
0x13c: {  	[tilespmem:s22], [sflag:$0x2] =	stream.indirect_vreg.gather [hbm4b:s7+s5], $0x80, v3, vm6, $0xb8;
	[tilespmem:$0x1B300] =	vst v63  }
0x13d: {  	s28 =	simm.s32 $0x8A00  }
0x13e: {  	[tilespmem:s28], [sflag:$0x2] =	stream.indirect_vreg.gather [hbm4b:s8+s5], $0x80, v3, vm6, $0xb8;
	[tilespmem:$0x1B300] =	vst v63  }
0x13f: {  	v3 =	vld [tilespmem:$0xB0];
	_ =	sdelay $0x4  }
0x140: {  	v8 =	vshrl.u32 v3, $0x3  }
0x141: {  	v4 =	vmul.u32 $0x30, v8  }
0x142: {  	v3 =	vand.u32 $0x7, v3  }
0x143: {  	v3 =	vor.u32 v3, v4  }
0x144: {  	v4 =	vperm.xlane v3, v0;
	_ =	sdelay $0x1  }
0x145: {  	v4 =	vadd.s32 v1, v4;
	_ =	sdelay $0x3  }
0x146: {  	s29 =	simm.s32 $0x9200;
	v3 =	vperm.xlane v3, v2  }
0x147: {  	[tilespmem:s29], [sflag:$0x2] =	stream.indirect_vreg.gather [hbm4b:s3+s5], $0x80, v4, vm6, $0xb8;
	[tilespmem:$0x1B300] =	vst v63  }
0x148: {  	s12 =	simm.s32 $0x9A00;
	v3 =	vadd.s32 v1, v3  }
0x149: {  	[tilespmem:s12], [sflag:$0x2] =	stream.indirect_vreg.gather [hbm4b:s7+s5], $0x80, v4, vm6, $0xb8;
	[tilespmem:$0x1B300] =	vst v63  }
0x14a: {  	s13 =	simm.s32 $0xA200  }
0x14b: {  	[tilespmem:s13], [sflag:$0x2] =	stream.indirect_vreg.gather [hbm4b:s8+s5], $0x80, v4, vm6, $0xb8;
	[tilespmem:$0x1B300] =	vst v63  }
0x14c: {  	s21 =	simm.s32 $0xAA00  }
0x14d: {  	[tilespmem:s21], [sflag:$0x2] =	stream.indirect_vreg.gather [hbm4b:s3+s5], $0x80, v3, vm6, $0xb8;
	[tilespmem:$0x1B300] =	vst v63  }
0x14e: {  	s22 =	simm.s32 $0xB200  }
0x14f: {  	[tilespmem:s22], [sflag:$0x2] =	stream.indirect_vreg.gather [hbm4b:s7+s5], $0x80, v3, vm6, $0xb8;
	[tilespmem:$0x1B300] =	vst v63  }
0x150: {  	s31 =	simm.s32 $0xBA00  }
0x151: {  	[tilespmem:s31], [sflag:$0x2] =	stream.indirect_vreg.gather [hbm4b:s8+s5], $0x80, v3, vm6, $0xb8;
	[tilespmem:$0x1B300] =	vst v63  }
0x152: {  	_ =	swait.ge [sflag:s18], $0x6000  }
0x153: {  	[sflag:s18] =	ssyncset.done $0x0  }
0x154: {  	s31 =	rddreg [dreg:$0x7];
	[sflag:s18] =	ssyncadd.s32 $0xFFFFA000  }
0x155: {  	[hbm4b:s31+s5] =	stream.linear.scatter [tilespmem:s2], [sflag:$0x8], $0x6000, $0x38;
	[tilespmem:$0x1B300] =	vst v63  }
0x156: {  	_ =	swait.ge [sflag:s19], $0x6000  }
0x157: {  	[sflag:s19] =	ssyncset.done $0x0  }
0x158: {  	[sflag:s19] =	ssyncadd.s32 $0xFFFFA000  }
0x159: {  	v3 =	vld [tilespmem:$0xC0];
	_ =	sdelay $0x4  }
0x15a: {  	vm8 =	vgt.s32 v3, $0xFFFFE000  }
0x15b: {  	v3 =	vnsel vm8, $0xFFFFE000, v3  }
0x15c: {  	vm8 =	vlt.s32 v3, $0x1FFF  }
0x15d: {  	v3 =	vnsel vm8, $0x1FFF, v3  }
0x15e: {  	v9 =	vadd.s32 $0x2000, v3  }
0x15f: {  	v10 =	vld [tilespmem:$0xD0];
	v11 =	vshrl.u32 v9, $0x3  }
0x160: {  	v6 =	vmul.u32 $0x30, v11  }
0x161: {  	v3 =	vand.u32 $0x7, v3  }
0x162: {  	v3 =	vor.u32 v3, v6  }
0x163: {  	v6 =	vperm.xlane v3, v0  }
0x164: {  	vm8 =	vgt.s32 v10, $0xFFFFE000  }
0x165: {  	v5 =	vnsel vm8, $0xFFFFE000, v10;
	v6 =	vadd.s32 v1, v6  }
0x166: {  	vm8 =	vlt.s32 v5, $0x1FFF  }
0x167: {  	v5 =	vnsel vm8, $0x1FFF, v5  }
0x168: {  	[tilespmem:$0xC0] =	vst v9;
	v12 =	vadd.s32 $0x2000, v5  }
0x169: {  	[tilespmem:$0xD0] =	vst v12;
	v3 =	vperm.xlane v3, v2  }
0x16a: {  	[tilespmem:s26], [sflag:$0x3] =	stream.indirect_vreg.gather [hbm4b:s3+s5], $0x80, v6, vm6, $0xb8;
	[tilespmem:$0x1B300] =	vst v63  }
0x16b: {  	s12 =	simm.s32 $0xCA00;
	v3 =	vadd.s32 v1, v3  }
0x16c: {  	[tilespmem:s12], [sflag:$0x3] =	stream.indirect_vreg.gather [hbm4b:s7+s5], $0x80, v6, vm6, $0xb8;
	[tilespmem:$0x1B300] =	vst v63  }
0x16d: {  	s13 =	simm.s32 $0xD200  }
0x16e: {  	[tilespmem:s13], [sflag:$0x3] =	stream.indirect_vreg.gather [hbm4b:s8+s5], $0x80, v6, vm6, $0xb8;
	[tilespmem:$0x1B300] =	vst v63  }
0x16f: {  	s21 =	simm.s32 $0xDA00  }
0x170: {  	[tilespmem:s21], [sflag:$0x3] =	stream.indirect_vreg.gather [hbm4b:s3+s5], $0x80, v3, vm6, $0xb8;
	[tilespmem:$0x1B300] =	vst v63  }
0x171: {  	s22 =	simm.s32 $0xE200  }
0x172: {  	[tilespmem:s22], [sflag:$0x3] =	stream.indirect_vreg.gather [hbm4b:s7+s5], $0x80, v3, vm6, $0xb8;
	[tilespmem:$0x1B300] =	vst v63  }
0x173: {  	s31 =	simm.s32 $0xEA00  }
0x174: {  	[tilespmem:s31], [sflag:$0x3] =	stream.indirect_vreg.gather [hbm4b:s8+s5], $0x80, v3, vm6, $0xb8;
	[tilespmem:$0x1B300] =	vst v63  }
0x175: {  	v3 =	vld [tilespmem:$0xD0];
	_ =	sdelay $0x4  }
0x176: {  	v13 =	vshrl.u32 v3, $0x3  }
0x177: {  	v4 =	vmul.u32 $0x30, v13  }
0x178: {  	v3 =	vand.u32 $0x7, v3  }
0x179: {  	v3 =	vor.u32 v3, v4  }
0x17a: {  	v4 =	vperm.xlane v3, v0;
	_ =	sdelay $0x1  }
0x17b: {  	v4 =	vadd.s32 v1, v4;
	_ =	sdelay $0x3  }
0x17c: {  	s12 =	simm.s32 $0xF200;
	v3 =	vperm.xlane v3, v2  }
0x17d: {  	[tilespmem:s12], [sflag:$0x3] =	stream.indirect_vreg.gather [hbm4b:s3+s5], $0x80, v4, vm6, $0xb8;
	[tilespmem:$0x1B300] =	vst v63  }
0x17e: {  	s13 =	simm.s32 $0xFA00;
	v3 =	vadd.s32 v1, v3  }
0x17f: {  	[tilespmem:s13], [sflag:$0x3] =	stream.indirect_vreg.gather [hbm4b:s7+s5], $0x80, v4, vm6, $0xb8;
	[tilespmem:$0x1B300] =	vst v63  }
0x180: {  	s21 =	simm.s32 $0x10200  }
0x181: {  	[tilespmem:s21], [sflag:$0x3] =	stream.indirect_vreg.gather [hbm4b:s8+s5], $0x80, v4, vm6, $0xb8;
	[tilespmem:$0x1B300] =	vst v63  }
0x182: {  	s22 =	simm.s32 $0x10A00  }
0x183: {  	[tilespmem:s22], [sflag:$0x3] =	stream.indirect_vreg.gather [hbm4b:s3+s5], $0x80, v3, vm6, $0xb8;
	[tilespmem:$0x1B300] =	vst v63  }
0x184: {  	s31 =	simm.s32 $0x11200  }
0x185: {  	[tilespmem:s31], [sflag:$0x3] =	stream.indirect_vreg.gather [hbm4b:s7+s5], $0x80, v3, vm6, $0xb8;
	[tilespmem:$0x1B300] =	vst v63  }
0x186: {  	s12 =	simm.s32 $0x11A00  }
0x187: {  	[tilespmem:s12], [sflag:$0x3] =	stream.indirect_vreg.gather [hbm4b:s8+s5], $0x80, v3, vm6, $0xb8;
	[tilespmem:$0x1B300] =	vst v63  }
0x188: {  	_ =	swait.ge [sflag:s24], $0x6000  }
0x189: {  	[sflag:s24] =	ssyncset.done $0x0  }
0x18a: {  	s13 =	rddreg [dreg:$0x8];
	[sflag:s24] =	ssyncadd.s32 $0xFFFFA000  }
0x18b: {  	[hbm4b:s13+s5] =	stream.linear.scatter [tilespmem:s25], [sflag:$0x5], $0x6000, $0x38;
	[tilespmem:$0x1B300] =	vst v63  }
0x18c: {  	_ =	swait.ge [sflag:s20], $0x6000  }
0x18d: {  	[sflag:s20] =	ssyncset.done $0x0  }
0x18e: {  	[sflag:s20] =	ssyncadd.s32 $0xFFFFA000  }
0x18f: {  	v3 =	vld [tilespmem:$0xE0];
	_ =	sdelay $0x4  }
0x190: {  	vm8 =	vgt.s32 v3, $0xFFFFE000  }
0x191: {  	v3 =	vnsel vm8, $0xFFFFE000, v3  }
0x192: {  	vm8 =	vlt.s32 v3, $0x1FFF  }
0x193: {  	v3 =	vnsel vm8, $0x1FFF, v3  }
0x194: {  	v14 =	vadd.s32 $0x2000, v3  }
0x195: {  	v15 =	vld [tilespmem:$0xF0];
	v16 =	vshrl.u32 v14, $0x3  }
0x196: {  	v6 =	vmul.u32 $0x30, v16  }
0x197: {  	v3 =	vand.u32 $0x7, v3  }
0x198: {  	v3 =	vor.u32 v3, v6  }
0x199: {  	v6 =	vperm.xlane v3, v0  }
0x19a: {  	vm8 =	vgt.s32 v15, $0xFFFFE000  }
0x19b: {  	v5 =	vnsel vm8, $0xFFFFE000, v15;
	v6 =	vadd.s32 v1, v6  }
0x19c: {  	vm8 =	vlt.s32 v5, $0x1FFF  }
0x19d: {  	v5 =	vnsel vm8, $0x1FFF, v5  }
0x19e: {  	[tilespmem:$0xE0] =	vst v14;
	v17 =	vadd.s32 $0x2000, v5  }
0x19f: {  	[tilespmem:$0xF0] =	vst v17;
	v3 =	vperm.xlane v3, v2  }
0x1a0: {  	[tilespmem:s2], [sflag:$0x4] =	stream.indirect_vreg.gather [hbm4b:s3+s5], $0x80, v6, vm6, $0xb8;
	[tilespmem:$0x1B300] =	vst v63  }
0x1a1: {  	s21 =	simm.s32 $0x12A00;
	v3 =	vadd.s32 v1, v3  }
0x1a2: {  	[tilespmem:s21], [sflag:$0x4] =	stream.indirect_vreg.gather [hbm4b:s7+s5], $0x80, v6, vm6, $0xb8;
	[tilespmem:$0x1B300] =	vst v63  }
0x1a3: {  	s22 =	simm.s32 $0x13200  }
0x1a4: {  	[tilespmem:s22], [sflag:$0x4] =	stream.indirect_vreg.gather [hbm4b:s8+s5], $0x80, v6, vm6, $0xb8;
	[tilespmem:$0x1B300] =	vst v63  }
0x1a5: {  	s31 =	simm.s32 $0x13A00  }
0x1a6: {  	[tilespmem:s31], [sflag:$0x4] =	stream.indirect_vreg.gather [hbm4b:s3+s5], $0x80, v3, vm6, $0xb8;
	[tilespmem:$0x1B300] =	vst v63  }
0x1a7: {  	s12 =	simm.s32 $0x14200  }
0x1a8: {  	[tilespmem:s12], [sflag:$0x4] =	stream.indirect_vreg.gather [hbm4b:s7+s5], $0x80, v3, vm6, $0xb8;
	[tilespmem:$0x1B300] =	vst v63  }
0x1a9: {  	s13 =	simm.s32 $0x14A00  }
0x1aa: {  	[tilespmem:s13], [sflag:$0x4] =	stream.indirect_vreg.gather [hbm4b:s8+s5], $0x80, v3, vm6, $0xb8;
	[tilespmem:$0x1B300] =	vst v63  }
0x1ab: {  	v3 =	vld [tilespmem:$0xF0];
	_ =	sdelay $0x4  }
0x1ac: {  	v18 =	vshrl.u32 v3, $0x3  }
0x1ad: {  	v4 =	vmul.u32 $0x30, v18  }
0x1ae: {  	v3 =	vand.u32 $0x7, v3  }
0x1af: {  	v3 =	vor.u32 v3, v4  }
0x1b0: {  	v4 =	vperm.xlane v3, v0;
	_ =	sdelay $0x1  }
0x1b1: {  	v4 =	vadd.s32 v1, v4;
	_ =	sdelay $0x3  }
0x1b2: {  	s12 =	simm.s32 $0x15200;
	v3 =	vperm.xlane v3, v2  }
0x1b3: {  	[tilespmem:s12], [sflag:$0x4] =	stream.indirect_vreg.gather [hbm4b:s3+s5], $0x80, v4, vm6, $0xb8;
	[tilespmem:$0x1B300] =	vst v63  }
0x1b4: {  	s21 =	simm.s32 $0x15A00;
	v3 =	vadd.s32 v1, v3  }
0x1b5: {  	[tilespmem:s21], [sflag:$0x4] =	stream.indirect_vreg.gather [hbm4b:s7+s5], $0x80, v4, vm6, $0xb8;
	[tilespmem:$0x1B300] =	vst v63  }
0x1b6: {  	s22 =	simm.s32 $0x16200  }
0x1b7: {  	[tilespmem:s22], [sflag:$0x4] =	stream.indirect_vreg.gather [hbm4b:s8+s5], $0x80, v4, vm6, $0xb8;
	[tilespmem:$0x1B300] =	vst v63  }
0x1b8: {  	s31 =	simm.s32 $0x16A00  }
0x1b9: {  	[tilespmem:s31], [sflag:$0x4] =	stream.indirect_vreg.gather [hbm4b:s3+s5], $0x80, v3, vm6, $0xb8;
	[tilespmem:$0x1B300] =	vst v63  }
0x1ba: {  	s13 =	simm.s32 $0x17200  }
0x1bb: {  	[tilespmem:s13], [sflag:$0x4] =	stream.indirect_vreg.gather [hbm4b:s7+s5], $0x80, v3, vm6, $0xb8;
	[tilespmem:$0x1B300] =	vst v63  }
0x1bc: {  	s0 =	simm.s32 $0x17A00;
	s21 =	simm.s32 @!p0 $0x9  }
0x1bd: {  	[tilespmem:s0], [sflag:$0x4] =	stream.indirect_vreg.gather [hbm4b:s8+s5], $0x80, v3, vm6, $0xb8;
	[tilespmem:$0x1B300] =	vst v63  }
0x1be: {  	_ =	swait.ge @!p0 [sflag:s21], $0x10  }
0x1bf: {  	[sflag:s21] =	ssyncset.done @!p0 $0x0  }
0x1c0: {  	[sflag:s21] =	ssyncadd.s32 @!p0 $0xFFFFFFF0  }
0x1c1: {  	v3 =	vld @!p0 [tilespmem:$0x18280];
	_ =	sdelay $0x4  }
0x1c2: {  	vm8 =	vgt.s32 @!p0 v3, $0xFFFFE000  }
0x1c3: {  	v3 =	vnsel @!p0 vm8, $0xFFFFE000, v3  }
0x1c4: {  	vm8 =	vlt.s32 @!p0 v3, $0x1FFF  }
0x1c5: {  	v3 =	vnsel @!p0 vm8, $0x1FFF, v3  }
0x1c6: {  	v6 =	vadd.s32 @!p0 $0x2000, v3  }
0x1c7: {  	v4 =	vshrl.u32 @!p0 v6, $0x3  }
0x1c8: {  	v4 =	vmul.u32 @!p0 $0x30, v4  }
0x1c9: {  	v5 =	vlaneseq.u32 @!p0;
	v3 =	vand.u32 @!p0 $0x7, v3  }
0x1ca: {  	v7 =	vor.u32 @!p0 v3, v4;
	v4 =	vand.u32 @!p0 $0x7, v5;
	v3 =	vshrl.u32 @!p0 v5, $0x3  }
0x1cb: {  	v8 =	vperm.xlane @!p0 v7, v4;
	v3 =	vmul.u32 @!p0 $0x8, v3;
	_ =	sdelay $0x1  }
0x1cc: {  	v8 =	vadd.s32 @!p0 v3, v8;
	_ =	sdelay $0x2  }
0x1cd: {  	v5 =	vor.u32 @!p0 $0x8, v5  }
0x1ce: {  	s22 =	simm.s32 @!p0 $0x0;
	s0 =	simm.s32 @!p0 $0x18300;
	[tilespmem:$0x18280] =	vst @!p0 v6;
	v6 =	vperm.xlane @!p0 v7, v5  }
0x1cf: {  	[tilespmem:s0], [sflag:$0x9] =	stream.indirect_vreg.gather @!p0 [hbm4b:s3+s22], $0x80, v8, vm7, $0xb8;
	[tilespmem:$0x1B300] =	vst v63  }
0x1d0: {  	v6 =	vadd.s32 @!p0 v3, v6;
	s0 =	simm.s32 @!p0 $0x18B00  }
0x1d1: {  	[tilespmem:s0], [sflag:$0x9] =	stream.indirect_vreg.gather @!p0 [hbm4b:s7+s22], $0x80, v8, vm7, $0xb8;
	[tilespmem:$0x1B300] =	vst v63  }
0x1d2: {  	s0 =	simm.s32 @!p0 $0x19300  }
0x1d3: {  	[tilespmem:s0], [sflag:$0x9] =	stream.indirect_vreg.gather @!p0 [hbm4b:s8+s22], $0x80, v8, vm7, $0xb8;
	[tilespmem:$0x1B300] =	vst v63  }
0x1d4: {  	s0 =	simm.s32 @!p0 $0x19B00  }
0x1d5: {  	[tilespmem:s0], [sflag:$0x9] =	stream.indirect_vreg.gather @!p0 [hbm4b:s3+s22], $0x80, v6, vm7, $0xb8;
	[tilespmem:$0x1B300] =	vst v63  }
0x1d6: {  	s0 =	simm.s32 @!p0 $0x1A300  }
0x1d7: {  	[tilespmem:s0], [sflag:$0x9] =	stream.indirect_vreg.gather @!p0 [hbm4b:s7+s22], $0x80, v6, vm7, $0xb8;
	[tilespmem:$0x1B300] =	vst v63  }
0x1d8: {  	s0 =	simm.s32 @!p0 $0x1AB00  }
0x1d9: {  	[tilespmem:s0], [sflag:$0x9] =	stream.indirect_vreg.gather @!p0 [hbm4b:s8+s22], $0x80, v6, vm7, $0xb8;
	[tilespmem:$0x1B300] =	vst v63  }
0x1da: {  	_ =	swait.ge [sflag:s14], $0x6000  }
0x1db: {  	[sflag:s14] =	ssyncset.done $0x0  }
0x1dc: {  	s1 =	rddreg [dreg:$0x9];
	[sflag:s14] =	ssyncadd.s32 $0xFFFFA000  }
0x1dd: {  	[hbm4b:s1+s5] =	stream.linear.scatter [tilespmem:s9], [sflag:$0x6], $0x6000, $0x38;
	[tilespmem:$0x1B300] =	vst v63  }
0x1de: {  	_ =	swait.ge [sflag:s15], $0x6000  }
0x1df: {  	[sflag:s15] =	ssyncset.done $0x0  }
0x1e0: {  	[sflag:s15] =	ssyncadd.s32 $0xFFFFA000  }
0x1e1: {  	v19 =	vld [tilespmem:$0x100];
	_ =	sdelay $0x4  }
0x1e2: {  	vm8 =	vgt.s32 v19, $0xFFFFE000  }
0x1e3: {  	v6 =	vnsel vm8, $0xFFFFE000, v19  }
0x1e4: {  	vm8 =	vlt.s32 v6, $0x1FFF  }
0x1e5: {  	v6 =	vnsel vm8, $0x1FFF, v6  }
0x1e6: {  	v20 =	vadd.s32 $0x2000, v6  }
0x1e7: {  	v21 =	vld [tilespmem:$0x110];
	v9 =	vshrl.u32 v20, $0x3  }
0x1e8: {  	v9 =	vmul.u32 $0x30, v9  }
0x1e9: {  	v6 =	vand.u32 $0x7, v6  }
0x1ea: {  	v6 =	vor.u32 v6, v9  }
0x1eb: {  	v9 =	vperm.xlane v6, v0  }
0x1ec: {  	vm8 =	vgt.s32 v21, $0xFFFFE000  }
0x1ed: {  	v8 =	vnsel vm8, $0xFFFFE000, v21;
	v9 =	vadd.s32 v1, v9  }
0x1ee: {  	vm8 =	vlt.s32 v8, $0x1FFF  }
0x1ef: {  	v8 =	vnsel vm8, $0x1FFF, v8  }
0x1f0: {  	[tilespmem:$0x100] =	vst v20;
	v22 =	vadd.s32 $0x2000, v8  }
0x1f1: {  	[tilespmem:$0x110] =	vst v22;
	v6 =	vperm.xlane v6, v2  }
0x1f2: {  	[tilespmem:s25], [sflag:$0x1] =	stream.indirect_vreg.gather [hbm4b:s3+s5], $0x80, v9, vm6, $0xb8;
	[tilespmem:$0x1B300] =	vst v63  }
0x1f3: {  	s31 =	simm.s32 $0xA00;
	v6 =	vadd.s32 v1, v6  }
0x1f4: {  	[tilespmem:s31], [sflag:$0x1] =	stream.indirect_vreg.gather [hbm4b:s7+s5], $0x80, v9, vm6, $0xb8;
	[tilespmem:$0x1B300] =	vst v63  }
0x1f5: {  	s1 =	simm.s32 $0x1200  }
0x1f6: {  	[tilespmem:s1], [sflag:$0x1] =	stream.indirect_vreg.gather [hbm4b:s8+s5], $0x80, v9, vm6, $0xb8;
	[tilespmem:$0x1B300] =	vst v63  }
0x1f7: {  	s30 =	simm.s32 $0x1A00  }
0x1f8: {  	[tilespmem:s30], [sflag:$0x1] =	stream.indirect_vreg.gather [hbm4b:s3+s5], $0x80, v6, vm6, $0xb8;
	[tilespmem:$0x1B300] =	vst v63  }
0x1f9: {  	s31 =	simm.s32 $0x2200  }
0x1fa: {  	[tilespmem:s31], [sflag:$0x1] =	stream.indirect_vreg.gather [hbm4b:s7+s5], $0x80, v6, vm6, $0xb8;
	[tilespmem:$0x1B300] =	vst v63  }
0x1fb: {  	s1 =	simm.s32 $0x2A00  }
0x1fc: {  	[tilespmem:s1], [sflag:$0x1] =	stream.indirect_vreg.gather [hbm4b:s8+s5], $0x80, v6, vm6, $0xb8;
	[tilespmem:$0x1B300] =	vst v63  }
0x1fd: {  	v6 =	vld [tilespmem:$0x110];
	_ =	sdelay $0x4  }
0x1fe: {  	v23 =	vshrl.u32 v6, $0x3  }
0x1ff: {  	v7 =	vmul.u32 $0x30, v23  }
0x200: {  	v6 =	vand.u32 $0x7, v6  }
0x201: {  	v6 =	vor.u32 v6, v7  }
0x202: {  	v7 =	vperm.xlane v6, v0;
	_ =	sdelay $0x1  }
0x203: {  	v7 =	vadd.s32 v1, v7;
	_ =	sdelay $0x3  }
0x204: {  	s30 =	simm.s32 $0x3200;
	v6 =	vperm.xlane v6, v2  }
0x205: {  	[tilespmem:s30], [sflag:$0x1] =	stream.indirect_vreg.gather [hbm4b:s3+s5], $0x80, v7, vm6, $0xb8;
	[tilespmem:$0x1B300] =	vst v63  }
0x206: {  	s4 =	simm.s32 $0x3A00;
	v6 =	vadd.s32 v1, v6  }
0x207: {  	[tilespmem:s4], [sflag:$0x1] =	stream.indirect_vreg.gather [hbm4b:s7+s5], $0x80, v7, vm6, $0xb8;
	[tilespmem:$0x1B300] =	vst v63  }
0x208: {  	s6 =	simm.s32 $0x4200  }
0x209: {  	[tilespmem:s6], [sflag:$0x1] =	stream.indirect_vreg.gather [hbm4b:s8+s5], $0x80, v7, vm6, $0xb8;
	[tilespmem:$0x1B300] =	vst v63  }
0x20a: {  	s31 =	simm.s32 $0x4A00  }
0x20b: {  	[tilespmem:s31], [sflag:$0x1] =	stream.indirect_vreg.gather [hbm4b:s3+s5], $0x80, v6, vm6, $0xb8;
	[tilespmem:$0x1B300] =	vst v63  }
0x20c: {  	s23 =	simm.s32 $0x5200  }
0x20d: {  	[tilespmem:s23], [sflag:$0x1] =	stream.indirect_vreg.gather [hbm4b:s7+s5], $0x80, v6, vm6, $0xb8;
	[tilespmem:$0x1B300] =	vst v63  }
0x20e: {  	s10 =	simm.s32 $0x5A00  }
0x20f: {  	[tilespmem:s10], [sflag:$0x1] =	stream.indirect_vreg.gather [hbm4b:s8+s5], $0x80, v6, vm6, $0xb8;
	[tilespmem:$0x1B300] =	vst v63  }
0x210: {  	_ =	swait.ge [sflag:s16], $0x6000  }
0x211: {  	[sflag:s16] =	ssyncset.done $0x0  }
0x212: {  	s1 =	rddreg [dreg:$0xa];
	[sflag:s16] =	ssyncadd.s32 $0xFFFFA000  }
0x213: {  	[hbm4b:s1+s5] =	stream.linear.scatter [tilespmem:s26], [sflag:$0x7], $0x6000, $0x38;
	[tilespmem:$0x1B300] =	vst v63  }
0x214: {  	_ =	swait.ge [sflag:s17], $0x6000  }
0x215: {  	[sflag:s17] =	ssyncset.done $0x0  }
0x216: {  	[sflag:s17] =	ssyncadd.s32 $0xFFFFA000  }
0x217: {  	v24 =	vld [tilespmem:$0x120];
	_ =	sdelay $0x4  }
0x218: {  	vm8 =	vgt.s32 v24, $0xFFFFE000  }
0x219: {  	v6 =	vnsel vm8, $0xFFFFE000, v24  }
0x21a: {  	vm8 =	vlt.s32 v6, $0x1FFF  }
0x21b: {  	v6 =	vnsel vm8, $0x1FFF, v6  }
0x21c: {  	v25 =	vadd.s32 $0x2000, v6  }
0x21d: {  	v26 =	vld [tilespmem:$0x130];
	v27 =	vshrl.u32 v25, $0x3  }
0x21e: {  	v9 =	vmul.u32 $0x30, v27  }
0x21f: {  	v6 =	vand.u32 $0x7, v6  }
0x220: {  	v6 =	vor.u32 v6, v9  }
0x221: {  	v9 =	vperm.xlane v6, v0  }
0x222: {  	vm8 =	vgt.s32 v26, $0xFFFFE000  }
0x223: {  	v8 =	vnsel vm8, $0xFFFFE000, v26;
	v9 =	vadd.s32 v1, v9  }
0x224: {  	vm8 =	vlt.s32 v8, $0x1FFF  }
0x225: {  	v8 =	vnsel vm8, $0x1FFF, v8  }
0x226: {  	[tilespmem:$0x120] =	vst v25;
	v28 =	vadd.s32 $0x2000, v8  }
0x227: {  	[tilespmem:$0x130] =	vst v28;
	v6 =	vperm.xlane v6, v2  }
0x228: {  	[tilespmem:s9], [sflag:$0x2] =	stream.indirect_vreg.gather [hbm4b:s3+s5], $0x80, v9, vm6, $0xb8;
	[tilespmem:$0x1B300] =	vst v63  }
0x229: {  	s4 =	simm.s32 $0x6A00;
	v6 =	vadd.s32 v1, v6  }
0x22a: {  	[tilespmem:s4], [sflag:$0x2] =	stream.indirect_vreg.gather [hbm4b:s7+s5], $0x80, v9, vm6, $0xb8;
	[tilespmem:$0x1B300] =	vst v63  }
0x22b: {  	s6 =	simm.s32 $0x7200  }
0x22c: {  	[tilespmem:s6], [sflag:$0x2] =	stream.indirect_vreg.gather [hbm4b:s8+s5], $0x80, v9, vm6, $0xb8;
	[tilespmem:$0x1B300] =	vst v63  }
0x22d: {  	s10 =	simm.s32 $0x7A00  }
0x22e: {  	[tilespmem:s10], [sflag:$0x2] =	stream.indirect_vreg.gather [hbm4b:s3+s5], $0x80, v6, vm6, $0xb8;
	[tilespmem:$0x1B300] =	vst v63  }
0x22f: {  	s23 =	simm.s32 $0x8200  }
0x230: {  	[tilespmem:s23], [sflag:$0x2] =	stream.indirect_vreg.gather [hbm4b:s7+s5], $0x80, v6, vm6, $0xb8;
	[tilespmem:$0x1B300] =	vst v63  }
0x231: {  	s28 =	simm.s32 $0x8A00  }
0x232: {  	[tilespmem:s28], [sflag:$0x2] =	stream.indirect_vreg.gather [hbm4b:s8+s5], $0x80, v6, vm6, $0xb8;
	[tilespmem:$0x1B300] =	vst v63  }
0x233: {  	v6 =	vld [tilespmem:$0x130];
	_ =	sdelay $0x4  }
0x234: {  	v29 =	vshrl.u32 v6, $0x3  }
0x235: {  	v7 =	vmul.u32 $0x30, v29  }
0x236: {  	v6 =	vand.u32 $0x7, v6  }
0x237: {  	v6 =	vor.u32 v6, v7  }
0x238: {  	v7 =	vperm.xlane v6, v0;
	_ =	sdelay $0x1  }
0x239: {  	v7 =	vadd.s32 v1, v7;
	_ =	sdelay $0x3  }
0x23a: {  	s29 =	simm.s32 $0x9200;
	v6 =	vperm.xlane v6, v2  }
0x23b: {  	[tilespmem:s29], [sflag:$0x2] =	stream.indirect_vreg.gather [hbm4b:s3+s5], $0x80, v7, vm6, $0xb8;
	[tilespmem:$0x1B300] =	vst v63  }
0x23c: {  	s28 =	simm.s32 $0x9A00;
	v6 =	vadd.s32 v1, v6  }
0x23d: {  	[tilespmem:s28], [sflag:$0x2] =	stream.indirect_vreg.gather [hbm4b:s7+s5], $0x80, v7, vm6, $0xb8;
	[tilespmem:$0x1B300] =	vst v63  }
0x23e: {  	s29 =	simm.s32 $0xA200  }
0x23f: {  	[tilespmem:s29], [sflag:$0x2] =	stream.indirect_vreg.gather [hbm4b:s8+s5], $0x80, v7, vm6, $0xb8;
	[tilespmem:$0x1B300] =	vst v63  }
0x240: {  	s30 =	simm.s32 $0xAA00  }
0x241: {  	[tilespmem:s30], [sflag:$0x2] =	stream.indirect_vreg.gather [hbm4b:s3+s5], $0x80, v6, vm6, $0xb8;
	[tilespmem:$0x1B300] =	vst v63  }
0x242: {  	s31 =	simm.s32 $0xB200  }
0x243: {  	[tilespmem:s31], [sflag:$0x2] =	stream.indirect_vreg.gather [hbm4b:s7+s5], $0x80, v6, vm6, $0xb8;
	[tilespmem:$0x1B300] =	vst v63  }
0x244: {  	s1 =	simm.s32 $0xBA00  }
0x245: {  	[tilespmem:s1], [sflag:$0x2] =	stream.indirect_vreg.gather [hbm4b:s8+s5], $0x80, v6, vm6, $0xb8;
	[tilespmem:$0x1B300] =	vst v63  }
0x246: {  	_ =	swait.ge [sflag:s18], $0x6000  }
0x247: {  	[sflag:s18] =	ssyncset.done $0x0  }
0x248: {  	s1 =	rddreg [dreg:$0xb];
	[sflag:s18] =	ssyncadd.s32 $0xFFFFA000  }
0x249: {  	[hbm4b:s1+s5] =	stream.linear.scatter [tilespmem:s2], [sflag:$0x8], $0x6000, $0x38;
	[tilespmem:$0x1B300] =	vst v63  }
0x24a: {  	_ =	swait.ge [sflag:s19], $0x6000  }
0x24b: {  	[sflag:s19] =	ssyncset.done $0x0  }
0x24c: {  	[sflag:s19] =	ssyncadd.s32 $0xFFFFA000  }
0x24d: {  	v30 =	vld [tilespmem:$0x140];
	_ =	sdelay $0x4  }
0x24e: {  	vm8 =	vgt.s32 v30, $0xFFFFE000  }
0x24f: {  	v6 =	vnsel vm8, $0xFFFFE000, v30  }
0x250: {  	vm8 =	vlt.s32 v6, $0x1FFF  }
0x251: {  	v6 =	vnsel vm8, $0x1FFF, v6  }
0x252: {  	v31 =	vadd.s32 $0x2000, v6  }
0x253: {  	v32 =	vld [tilespmem:$0x150];
	v33 =	vshrl.u32 v31, $0x3  }
0x254: {  	v9 =	vmul.u32 $0x30, v33  }
0x255: {  	v6 =	vand.u32 $0x7, v6  }
0x256: {  	v6 =	vor.u32 v6, v9  }
0x257: {  	v9 =	vperm.xlane v6, v0  }
0x258: {  	vm8 =	vgt.s32 v32, $0xFFFFE000  }
0x259: {  	v8 =	vnsel vm8, $0xFFFFE000, v32;
	v9 =	vadd.s32 v1, v9  }
0x25a: {  	vm8 =	vlt.s32 v8, $0x1FFF  }
0x25b: {  	v8 =	vnsel vm8, $0x1FFF, v8  }
0x25c: {  	[tilespmem:$0x140] =	vst v31;
	v34 =	vadd.s32 $0x2000, v8  }
0x25d: {  	[tilespmem:$0x150] =	vst v34;
	v6 =	vperm.xlane v6, v2  }
0x25e: {  	[tilespmem:s26], [sflag:$0x3] =	stream.indirect_vreg.gather [hbm4b:s3+s5], $0x80, v9, vm6, $0xb8;
	[tilespmem:$0x1B300] =	vst v63  }
0x25f: {  	s1 =	simm.s32 $0xCA00;
	v6 =	vadd.s32 v1, v6  }
0x260: {  	[tilespmem:s1], [sflag:$0x3] =	stream.indirect_vreg.gather [hbm4b:s7+s5], $0x80, v9, vm6, $0xb8;
	[tilespmem:$0x1B300] =	vst v63  }
0x261: {  	s0 =	simm.s32 $0xD200  }
0x262: {  	[tilespmem:s0], [sflag:$0x3] =	stream.indirect_vreg.gather [hbm4b:s8+s5], $0x80, v9, vm6, $0xb8;
	[tilespmem:$0x1B300] =	vst v63  }
0x263: {  	s0 =	simm.s32 $0xDA00  }
0x264: {  	[tilespmem:s0], [sflag:$0x3] =	stream.indirect_vreg.gather [hbm4b:s3+s5], $0x80, v6, vm6, $0xb8;
	[tilespmem:$0x1B300] =	vst v63  }
0x265: {  	s0 =	simm.s32 $0xE200  }
0x266: {  	[tilespmem:s0], [sflag:$0x3] =	stream.indirect_vreg.gather [hbm4b:s7+s5], $0x80, v6, vm6, $0xb8;
	[tilespmem:$0x1B300] =	vst v63  }
0x267: {  	s0 =	simm.s32 $0xEA00  }
0x268: {  	[tilespmem:s0], [sflag:$0x3] =	stream.indirect_vreg.gather [hbm4b:s8+s5], $0x80, v6, vm6, $0xb8;
	[tilespmem:$0x1B300] =	vst v63  }
0x269: {  	v6 =	vld [tilespmem:$0x150];
	_ =	sdelay $0x4  }
0x26a: {  	v35 =	vshrl.u32 v6, $0x3  }
0x26b: {  	v7 =	vmul.u32 $0x30, v35  }
0x26c: {  	v6 =	vand.u32 $0x7, v6  }
0x26d: {  	v6 =	vor.u32 v6, v7  }
0x26e: {  	v7 =	vperm.xlane v6, v0;
	_ =	sdelay $0x1  }
0x26f: {  	v7 =	vadd.s32 v1, v7;
	_ =	sdelay $0x3  }
0x270: {  	s0 =	simm.s32 $0xF200;
	v6 =	vperm.xlane v6, v2  }
0x271: {  	[tilespmem:s0], [sflag:$0x3] =	stream.indirect_vreg.gather [hbm4b:s3+s5], $0x80, v7, vm6, $0xb8;
	[tilespmem:$0x1B300] =	vst v63  }
0x272: {  	v6 =	vadd.s32 v1, v6;
	s0 =	simm.s32 $0xFA00  }
0x273: {  	[tilespmem:s0], [sflag:$0x3] =	stream.indirect_vreg.gather [hbm4b:s7+s5], $0x80, v7, vm6, $0xb8;
	[tilespmem:$0x1B300] =	vst v63  }
0x274: {  	s0 =	simm.s32 $0x10200  }
0x275: {  	[tilespmem:s0], [sflag:$0x3] =	stream.indirect_vreg.gather [hbm4b:s8+s5], $0x80, v7, vm6, $0xb8;
	[tilespmem:$0x1B300] =	vst v63  }
0x276: {  	s0 =	simm.s32 $0x10A00  }
0x277: {  	[tilespmem:s0], [sflag:$0x3] =	stream.indirect_vreg.gather [hbm4b:s3+s5], $0x80, v6, vm6, $0xb8;
	[tilespmem:$0x1B300] =	vst v63  }
0x278: {  	s0 =	simm.s32 $0x11200  }
0x279: {  	[tilespmem:s0], [sflag:$0x3] =	stream.indirect_vreg.gather [hbm4b:s7+s5], $0x80, v6, vm6, $0xb8;
	[tilespmem:$0x1B300] =	vst v63  }
0x27a: {  	s0 =	simm.s32 $0x11A00  }
0x27b: {  	[tilespmem:s0], [sflag:$0x3] =	stream.indirect_vreg.gather [hbm4b:s8+s5], $0x80, v6, vm6, $0xb8;
	[tilespmem:$0x1B300] =	vst v63  }
0x27c: {  	_ =	swait.ge [sflag:s24], $0x6000  }
0x27d: {  	[sflag:s24] =	ssyncset.done $0x0  }
0x27e: {  	s0 =	rddreg [dreg:$0xc];
	[sflag:s24] =	ssyncadd.s32 $0xFFFFA000  }
0x27f: {  	[hbm4b:s0+s5] =	stream.linear.scatter [tilespmem:s25], [sflag:$0x5], $0x6000, $0x38;
	[tilespmem:$0x1B300] =	vst v63  }
0x280: {  	_ =	swait.ge [sflag:s20], $0x6000  }
0x281: {  	[sflag:s20] =	ssyncset.done $0x0  }
0x282: {  	[sflag:s20] =	ssyncadd.s32 $0xFFFFA000  }
0x283: {  	v36 =	vld [tilespmem:$0x160];
	_ =	sdelay $0x4  }
0x284: {  	vm8 =	vgt.s32 v36, $0xFFFFE000  }
0x285: {  	v6 =	vnsel vm8, $0xFFFFE000, v36  }
0x286: {  	vm8 =	vlt.s32 v6, $0x1FFF  }
0x287: {  	v6 =	vnsel vm8, $0x1FFF, v6  }
0x288: {  	v37 =	vadd.s32 $0x2000, v6  }
0x289: {  	v38 =	vld [tilespmem:$0x170];
	v39 =	vshrl.u32 v37, $0x3  }
0x28a: {  	v9 =	vmul.u32 $0x30, v39  }
0x28b: {  	v6 =	vand.u32 $0x7, v6  }
0x28c: {  	v6 =	vor.u32 v6, v9  }
0x28d: {  	v9 =	vperm.xlane v6, v0  }
0x28e: {  	vm8 =	vgt.s32 v38, $0xFFFFE000  }
0x28f: {  	v8 =	vnsel vm8, $0xFFFFE000, v38;
	v9 =	vadd.s32 v1, v9  }
0x290: {  	vm8 =	vlt.s32 v8, $0x1FFF  }
0x291: {  	v8 =	vnsel vm8, $0x1FFF, v8  }
0x292: {  	[tilespmem:$0x160] =	vst v37;
	v40 =	vadd.s32 $0x2000, v8  }
0x293: {  	[tilespmem:$0x170] =	vst v40;
	v6 =	vperm.xlane v6, v2  }
0x294: {  	[tilespmem:s2], [sflag:$0x4] =	stream.indirect_vreg.gather [hbm4b:s3+s5], $0x80, v9, vm6, $0xb8;
	[tilespmem:$0x1B300] =	vst v63  }
0x295: {  	s0 =	simm.s32 $0x12A00;
	v6 =	vadd.s32 v1, v6  }
0x296: {  	[tilespmem:s0], [sflag:$0x4] =	stream.indirect_vreg.gather [hbm4b:s7+s5], $0x80, v9, vm6, $0xb8;
	[tilespmem:$0x1B300] =	vst v63  }
0x297: {  	s0 =	simm.s32 $0x13200  }
0x298: {  	[tilespmem:s0], [sflag:$0x4] =	stream.indirect_vreg.gather [hbm4b:s8+s5], $0x80, v9, vm6, $0xb8;
	[tilespmem:$0x1B300] =	vst v63  }
0x299: {  	s0 =	simm.s32 $0x13A00  }
0x29a: {  	[tilespmem:s0], [sflag:$0x4] =	stream.indirect_vreg.gather [hbm4b:s3+s5], $0x80, v6, vm6, $0xb8;
	[tilespmem:$0x1B300] =	vst v63  }
0x29b: {  	s0 =	simm.s32 $0x14200  }
0x29c: {  	[tilespmem:s0], [sflag:$0x4] =	stream.indirect_vreg.gather [hbm4b:s7+s5], $0x80, v6, vm6, $0xb8;
	[tilespmem:$0x1B300] =	vst v63  }
0x29d: {  	s0 =	simm.s32 $0x14A00  }
0x29e: {  	[tilespmem:s0], [sflag:$0x4] =	stream.indirect_vreg.gather [hbm4b:s8+s5], $0x80, v6, vm6, $0xb8;
	[tilespmem:$0x1B300] =	vst v63  }
0x29f: {  	v6 =	vld [tilespmem:$0x170];
	_ =	sdelay $0x4  }
0x2a0: {  	v41 =	vshrl.u32 v6, $0x3  }
0x2a1: {  	v7 =	vmul.u32 $0x30, v41  }
0x2a2: {  	v6 =	vand.u32 $0x7, v6  }
0x2a3: {  	v6 =	vor.u32 v6, v7  }
0x2a4: {  	v7 =	vperm.xlane v6, v0;
	_ =	sdelay $0x1  }
0x2a5: {  	v7 =	vadd.s32 v1, v7;
	_ =	sdelay $0x3  }
0x2a6: {  	v6 =	vperm.xlane v6, v2  }
0x2a7: {  	[tilespmem:s12], [sflag:$0x4] =	stream.indirect_vreg.gather [hbm4b:s3+s5], $0x80, v7, vm6, $0xb8;
	[tilespmem:$0x1B300] =	vst v63  }
0x2a8: {  	s0 =	simm.s32 $0x15A00;
	v6 =	vadd.s32 v1, v6  }
0x2a9: {  	[tilespmem:s0], [sflag:$0x4] =	stream.indirect_vreg.gather [hbm4b:s7+s5], $0x80, v7, vm6, $0xb8;
	[tilespmem:$0x1B300] =	vst v63  }
0x2aa: {  	s0 =	simm.s32 $0x16200  }
0x2ab: {  	[tilespmem:s0], [sflag:$0x4] =	stream.indirect_vreg.gather [hbm4b:s8+s5], $0x80, v7, vm6, $0xb8;
	[tilespmem:$0x1B300] =	vst v63  }
0x2ac: {  	s0 =	simm.s32 $0x16A00  }
0x2ad: {  	[tilespmem:s0], [sflag:$0x4] =	stream.indirect_vreg.gather [hbm4b:s3+s5], $0x80, v6, vm6, $0xb8;
	[tilespmem:$0x1B300] =	vst v63  }
0x2ae: {  	_ = 	snop  }
0x2af: {  	[tilespmem:s13], [sflag:$0x4] =	stream.indirect_vreg.gather [hbm4b:s7+s5], $0x80, v6, vm6, $0xb8;
	[tilespmem:$0x1B300] =	vst v63  }
0x2b0: {  	s0 =	simm.s32 $0x17A00  }
0x2b1: {  	[tilespmem:s0], [sflag:$0x4] =	stream.indirect_vreg.gather [hbm4b:s8+s5], $0x80, v6, vm6, $0xb8;
	[tilespmem:$0x1B300] =	vst v63  }
0x2b2: {  	_ =	swait.ge [sflag:s14], $0x6000  }
0x2b3: {  	[sflag:s14] =	ssyncset.done $0x0  }
0x2b4: {  	s0 =	rddreg [dreg:$0xd];
	[sflag:s14] =	ssyncadd.s32 $0xFFFFA000  }
0x2b5: {  	[hbm4b:s0+s5] =	stream.linear.scatter [tilespmem:s9], [sflag:$0x6], $0x6000, $0x38;
	[tilespmem:$0x1B300] =	vst v63  }
0x2b6: {  	_ =	swait.ge [sflag:s15], $0x6000  }
0x2b7: {  	[sflag:s15] =	ssyncset.done $0x0  }
0x2b8: {  	[sflag:s15] =	ssyncadd.s32 $0xFFFFA000  }
0x2b9: {  	v42 =	vld [tilespmem:$0x180];
	_ =	sdelay $0x4  }
0x2ba: {  	vm8 =	vgt.s32 v42, $0xFFFFE000  }
0x2bb: {  	v6 =	vnsel vm8, $0xFFFFE000, v42  }
0x2bc: {  	vm8 =	vlt.s32 v6, $0x1FFF  }
0x2bd: {  	v6 =	vnsel vm8, $0x1FFF, v6  }
0x2be: {  	v43 =	vadd.s32 $0x2000, v6  }
0x2bf: {  	v44 =	vld [tilespmem:$0x190];
	v45 =	vshrl.u32 v43, $0x3  }
0x2c0: {  	v9 =	vmul.u32 $0x30, v45  }
0x2c1: {  	v6 =	vand.u32 $0x7, v6  }
0x2c2: {  	v6 =	vor.u32 v6, v9  }
0x2c3: {  	v9 =	vperm.xlane v6, v0  }
0x2c4: {  	vm8 =	vgt.s32 v44, $0xFFFFE000  }
0x2c5: {  	v8 =	vnsel vm8, $0xFFFFE000, v44;
	v9 =	vadd.s32 v1, v9  }
0x2c6: {  	vm8 =	vlt.s32 v8, $0x1FFF  }
0x2c7: {  	v8 =	vnsel vm8, $0x1FFF, v8  }
0x2c8: {  	[tilespmem:$0x180] =	vst v43;
	v46 =	vadd.s32 $0x2000, v8  }
0x2c9: {  	[tilespmem:$0x190] =	vst v46;
	v6 =	vperm.xlane v6, v2  }
0x2ca: {  	[tilespmem:s25], [sflag:$0x1] =	stream.indirect_vreg.gather [hbm4b:s3+s5], $0x80, v9, vm6, $0xb8;
	[tilespmem:$0x1B300] =	vst v63  }
0x2cb: {  	s0 =	simm.s32 $0xA00;
	v6 =	vadd.s32 v1, v6  }
0x2cc: {  	[tilespmem:s0], [sflag:$0x1] =	stream.indirect_vreg.gather [hbm4b:s7+s5], $0x80, v9, vm6, $0xb8;
	[tilespmem:$0x1B300] =	vst v63  }
0x2cd: {  	s0 =	simm.s32 $0x1200  }
0x2ce: {  	[tilespmem:s0], [sflag:$0x1] =	stream.indirect_vreg.gather [hbm4b:s8+s5], $0x80, v9, vm6, $0xb8;
	[tilespmem:$0x1B300] =	vst v63  }
0x2cf: {  	s0 =	simm.s32 $0x1A00  }
0x2d0: {  	[tilespmem:s0], [sflag:$0x1] =	stream.indirect_vreg.gather [hbm4b:s3+s5], $0x80, v6, vm6, $0xb8;
	[tilespmem:$0x1B300] =	vst v63  }
0x2d1: {  	s0 =	simm.s32 $0x2200  }
0x2d2: {  	[tilespmem:s0], [sflag:$0x1] =	stream.indirect_vreg.gather [hbm4b:s7+s5], $0x80, v6, vm6, $0xb8;
	[tilespmem:$0x1B300] =	vst v63  }
0x2d3: {  	s0 =	simm.s32 $0x2A00  }
0x2d4: {  	[tilespmem:s0], [sflag:$0x1] =	stream.indirect_vreg.gather [hbm4b:s8+s5], $0x80, v6, vm6, $0xb8;
	[tilespmem:$0x1B300] =	vst v63  }
0x2d5: {  	v6 =	vld [tilespmem:$0x190];
	_ =	sdelay $0x4  }
0x2d6: {  	v47 =	vshrl.u32 v6, $0x3  }
0x2d7: {  	v7 =	vmul.u32 $0x30, v47  }
0x2d8: {  	v6 =	vand.u32 $0x7, v6  }
0x2d9: {  	v6 =	vor.u32 v6, v7  }
0x2da: {  	v7 =	vperm.xlane v6, v0;
	_ =	sdelay $0x1  }
0x2db: {  	v7 =	vadd.s32 v1, v7;
	_ =	sdelay $0x3  }
0x2dc: {  	s0 =	simm.s32 $0x3200;
	v6 =	vperm.xlane v6, v2  }
0x2dd: {  	[tilespmem:s0], [sflag:$0x1] =	stream.indirect_vreg.gather [hbm4b:s3+s5], $0x80, v7, vm6, $0xb8;
	[tilespmem:$0x1B300] =	vst v63  }
0x2de: {  	v6 =	vadd.s32 v1, v6;
	s0 =	simm.s32 $0x3A00  }
0x2df: {  	[tilespmem:s0], [sflag:$0x1] =	stream.indirect_vreg.gather [hbm4b:s7+s5], $0x80, v7, vm6, $0xb8;
	[tilespmem:$0x1B300] =	vst v63  }
0x2e0: {  	s0 =	simm.s32 $0x4200  }
0x2e1: {  	[tilespmem:s0], [sflag:$0x1] =	stream.indirect_vreg.gather [hbm4b:s8+s5], $0x80, v7, vm6, $0xb8;
	[tilespmem:$0x1B300] =	vst v63  }
0x2e2: {  	s0 =	simm.s32 $0x4A00  }
0x2e3: {  	[tilespmem:s0], [sflag:$0x1] =	stream.indirect_vreg.gather [hbm4b:s3+s5], $0x80, v6, vm6, $0xb8;
	[tilespmem:$0x1B300] =	vst v63  }
0x2e4: {  	s0 =	simm.s32 $0x5200  }
0x2e5: {  	[tilespmem:s0], [sflag:$0x1] =	stream.indirect_vreg.gather [hbm4b:s7+s5], $0x80, v6, vm6, $0xb8;
	[tilespmem:$0x1B300] =	vst v63  }
0x2e6: {  	s0 =	simm.s32 $0x5A00  }
0x2e7: {  	[tilespmem:s0], [sflag:$0x1] =	stream.indirect_vreg.gather [hbm4b:s8+s5], $0x80, v6, vm6, $0xb8;
	[tilespmem:$0x1B300] =	vst v63  }
0x2e8: {  	_ =	swait.ge [sflag:s16], $0x6000  }
0x2e9: {  	[sflag:s16] =	ssyncset.done $0x0  }
0x2ea: {  	s0 =	rddreg [dreg:$0xe];
	[sflag:s16] =	ssyncadd.s32 $0xFFFFA000  }
0x2eb: {  	[hbm4b:s0+s5] =	stream.linear.scatter [tilespmem:s26], [sflag:$0x7], $0x6000, $0x38;
	[tilespmem:$0x1B300] =	vst v63  }
0x2ec: {  	_ =	swait.ge [sflag:s17], $0x6000  }
0x2ed: {  	[sflag:s17] =	ssyncset.done $0x0  }
0x2ee: {  	[sflag:s17] =	ssyncadd.s32 $0xFFFFA000  }
0x2ef: {  	v48 =	vld [tilespmem:$0x1A0];
	_ =	sdelay $0x4  }
0x2f0: {  	vm8 =	vgt.s32 v48, $0xFFFFE000  }
0x2f1: {  	v6 =	vnsel vm8, $0xFFFFE000, v48  }
0x2f2: {  	vm8 =	vlt.s32 v6, $0x1FFF  }
0x2f3: {  	v6 =	vnsel vm8, $0x1FFF, v6  }
0x2f4: {  	v49 =	vadd.s32 $0x2000, v6  }
0x2f5: {  	v50 =	vld [tilespmem:$0x1B0];
	v51 =	vshrl.u32 v49, $0x3  }
0x2f6: {  	v9 =	vmul.u32 $0x30, v51  }
0x2f7: {  	v6 =	vand.u32 $0x7, v6  }
0x2f8: {  	v6 =	vor.u32 v6, v9  }
0x2f9: {  	v9 =	vperm.xlane v6, v0  }
0x2fa: {  	vm8 =	vgt.s32 v50, $0xFFFFE000  }
0x2fb: {  	v8 =	vnsel vm8, $0xFFFFE000, v50;
	v9 =	vadd.s32 v1, v9  }
0x2fc: {  	vm8 =	vlt.s32 v8, $0x1FFF  }
0x2fd: {  	v8 =	vnsel vm8, $0x1FFF, v8  }
0x2fe: {  	[tilespmem:$0x1A0] =	vst v49;
	v52 =	vadd.s32 $0x2000, v8  }
0x2ff: {  	[tilespmem:$0x1B0] =	vst v52;
	v6 =	vperm.xlane v6, v2  }
0x300: {  	[tilespmem:s9], [sflag:$0x2] =	stream.indirect_vreg.gather [hbm4b:s3+s5], $0x80, v9, vm6, $0xb8;
	[tilespmem:$0x1B300] =	vst v63  }
0x301: {  	s4 =	simm.s32 $0x6A00;
	v6 =	vadd.s32 v1, v6  }
0x302: {  	[tilespmem:s4], [sflag:$0x2] =	stream.indirect_vreg.gather [hbm4b:s7+s5], $0x80, v9, vm6, $0xb8;
	[tilespmem:$0x1B300] =	vst v63  }
0x303: {  	s6 =	simm.s32 $0x7200  }
0x304: {  	[tilespmem:s6], [sflag:$0x2] =	stream.indirect_vreg.gather [hbm4b:s8+s5], $0x80, v9, vm6, $0xb8;
	[tilespmem:$0x1B300] =	vst v63  }
0x305: {  	s10 =	simm.s32 $0x7A00  }
0x306: {  	[tilespmem:s10], [sflag:$0x2] =	stream.indirect_vreg.gather [hbm4b:s3+s5], $0x80, v6, vm6, $0xb8;
	[tilespmem:$0x1B300] =	vst v63  }
0x307: {  	s23 =	simm.s32 $0x8200  }
0x308: {  	[tilespmem:s23], [sflag:$0x2] =	stream.indirect_vreg.gather [hbm4b:s7+s5], $0x80, v6, vm6, $0xb8;
	[tilespmem:$0x1B300] =	vst v63  }
0x309: {  	s10 =	simm.s32 $0x8A00  }
0x30a: {  	[tilespmem:s10], [sflag:$0x2] =	stream.indirect_vreg.gather [hbm4b:s8+s5], $0x80, v6, vm6, $0xb8;
	[tilespmem:$0x1B300] =	vst v63  }
0x30b: {  	v6 =	vld [tilespmem:$0x1B0];
	_ =	sdelay $0x4  }
0x30c: {  	v53 =	vshrl.u32 v6, $0x3  }
0x30d: {  	v7 =	vmul.u32 $0x30, v53  }
0x30e: {  	v6 =	vand.u32 $0x7, v6  }
0x30f: {  	v6 =	vor.u32 v6, v7  }
0x310: {  	v7 =	vperm.xlane v6, v0;
	_ =	sdelay $0x1  }
0x311: {  	v7 =	vadd.s32 v1, v7;
	_ =	sdelay $0x3  }
0x312: {  	s23 =	simm.s32 $0x9200;
	v6 =	vperm.xlane v6, v2  }
0x313: {  	[tilespmem:s23], [sflag:$0x2] =	stream.indirect_vreg.gather [hbm4b:s3+s5], $0x80, v7, vm6, $0xb8;
	[tilespmem:$0x1B300] =	vst v63  }
0x314: {  	s28 =	simm.s32 $0x9A00;
	v6 =	vadd.s32 v1, v6  }
0x315: {  	[tilespmem:s28], [sflag:$0x2] =	stream.indirect_vreg.gather [hbm4b:s7+s5], $0x80, v7, vm6, $0xb8;
	[tilespmem:$0x1B300] =	vst v63  }
0x316: {  	s29 =	simm.s32 $0xA200  }
0x317: {  	[tilespmem:s29], [sflag:$0x2] =	stream.indirect_vreg.gather [hbm4b:s8+s5], $0x80, v7, vm6, $0xb8;
	[tilespmem:$0x1B300] =	vst v63  }
0x318: {  	s30 =	simm.s32 $0xAA00  }
0x319: {  	[tilespmem:s30], [sflag:$0x2] =	stream.indirect_vreg.gather [hbm4b:s3+s5], $0x80, v6, vm6, $0xb8;
	[tilespmem:$0x1B300] =	vst v63  }
0x31a: {  	s31 =	simm.s32 $0xB200  }
0x31b: {  	[tilespmem:s31], [sflag:$0x2] =	stream.indirect_vreg.gather [hbm4b:s7+s5], $0x80, v6, vm6, $0xb8;
	[tilespmem:$0x1B300] =	vst v63  }
0x31c: {  	s28 =	simm.s32 $0xBA00  }
0x31d: {  	[tilespmem:s28], [sflag:$0x2] =	stream.indirect_vreg.gather [hbm4b:s8+s5], $0x80, v6, vm6, $0xb8;
	[tilespmem:$0x1B300] =	vst v63  }
0x31e: {  	_ =	swait.ge @!p0 [sflag:s21], $0x3000  }
0x31f: {  	[sflag:s21] =	ssyncset.done @!p0 $0x0  }
0x320: {  	[sflag:s21] =	ssyncadd.s32 @!p0 $0xFFFFD000  }
0x321: {  	v6 =	vld @!p0 [tilespmem:$0x18200];
	_ =	sdelay $0x4  }
0x322: {  	v7 =	vshrl.u32 @!p0 v6, $0x3  }
0x323: {  	v7 =	vmul.u32 @!p0 $0x30, v7  }
0x324: {  	v6 =	vand.u32 @!p0 $0x7, v6  }
0x325: {  	v6 =	vor.u32 @!p0 v6, v7  }
0x326: {  	v4 =	vperm.xlane @!p0 v6, v4;
	_ =	sdelay $0x1  }
0x327: {  	v4 =	vadd.s32 @!p0 v3, v4;
	_ =	sdelay $0x3  }
0x328: {  	s4 =	simm.s32 @!p0 $0x18300;
	s0 =	rddreg [dreg:$0x2];
	v5 =	vperm.xlane @!p0 v6, v5  }
0x329: {  	[hbm4b:s0+s22] =	stream.indirect_vreg.scatter @!p0 [tilespmem:s4], [sflag:$0x9], $0x80, v4, vm7, $0xb8;
	[tilespmem:$0x1B300] =	vst v63  }
0x32a: {  	s23 =	rddreg [dreg:$0x15];
	v3 =	vadd.s32 @!p0 v3, v5;
	s4 =	simm.s32 @!p0 $0x18B00  }
0x32b: {  	[hbm4b:s23+s22] =	stream.indirect_vreg.scatter @!p0 [tilespmem:s4], [sflag:$0x9], $0x80, v4, vm7, $0xb8;
	[tilespmem:$0x1B300] =	vst v63  }
0x32c: {  	s28 =	rddreg [dreg:$0x16];
	s4 =	simm.s32 @!p0 $0x19300  }
0x32d: {  	[hbm4b:s28+s22] =	stream.indirect_vreg.scatter @!p0 [tilespmem:s4], [sflag:$0x9], $0x80, v4, vm7, $0xb8;
	[tilespmem:$0x1B300] =	vst v63  }
0x32e: {  	s4 =	simm.s32 @!p0 $0x19B00  }
0x32f: {  	[hbm4b:s0+s22] =	stream.indirect_vreg.scatter @!p0 [tilespmem:s4], [sflag:$0x9], $0x80, v3, vm7, $0xb8;
	[tilespmem:$0x1B300] =	vst v63  }
0x330: {  	s0 =	simm.s32 @!p0 $0x1A300  }
0x331: {  	[hbm4b:s23+s22] =	stream.indirect_vreg.scatter @!p0 [tilespmem:s0], [sflag:$0x9], $0x80, v3, vm7, $0xb8;
	[tilespmem:$0x1B300] =	vst v63  }
0x332: {  	s0 =	simm.s32 @!p0 $0x1AB00  }
0x333: {  	[hbm4b:s28+s22] =	stream.indirect_vreg.scatter @!p0 [tilespmem:s0], [sflag:$0x9], $0x80, v3, vm7, $0xb8;
	[tilespmem:$0x1B300] =	vst v63  }
0x334: {  	_ =	swait.ge [sflag:s18], $0x6000  }
0x335: {  	[sflag:s18] =	ssyncset.done $0x0  }
0x336: {  	s29 =	rddreg [dreg:$0xf];
	[sflag:s18] =	ssyncadd.s32 $0xFFFFA000  }
0x337: {  	[hbm4b:s29+s5] =	stream.linear.scatter [tilespmem:s2], [sflag:$0x8], $0x6000, $0x38;
	[tilespmem:$0x1B300] =	vst v63  }
0x338: {  	_ =	swait.ge [sflag:s19], $0x6000  }
0x339: {  	[sflag:s19] =	ssyncset.done $0x0  }
0x33a: {  	[sflag:s19] =	ssyncadd.s32 $0xFFFFA000  }
0x33b: {  	v3 =	vld [tilespmem:$0x1C0];
	_ =	sdelay $0x4  }
0x33c: {  	vm8 =	vgt.s32 v3, $0xFFFFE000  }
0x33d: {  	v3 =	vnsel vm8, $0xFFFFE000, v3  }
0x33e: {  	vm8 =	vlt.s32 v3, $0x1FFF  }
0x33f: {  	v3 =	vnsel vm8, $0x1FFF, v3  }
0x340: {  	v54 =	vadd.s32 $0x2000, v3  }
0x341: {  	v55 =	vld [tilespmem:$0x1D0];
	v56 =	vshrl.u32 v54, $0x3  }
0x342: {  	v6 =	vmul.u32 $0x30, v56  }
0x343: {  	v3 =	vand.u32 $0x7, v3  }
0x344: {  	v3 =	vor.u32 v3, v6  }
0x345: {  	v6 =	vperm.xlane v3, v0  }
0x346: {  	vm8 =	vgt.s32 v55, $0xFFFFE000  }
0x347: {  	v5 =	vnsel vm8, $0xFFFFE000, v55;
	v6 =	vadd.s32 v1, v6  }
0x348: {  	vm8 =	vlt.s32 v5, $0x1FFF  }
0x349: {  	v5 =	vnsel vm8, $0x1FFF, v5  }
0x34a: {  	[tilespmem:$0x1C0] =	vst v54;
	v57 =	vadd.s32 $0x2000, v5  }
0x34b: {  	[tilespmem:$0x1D0] =	vst v57;
	v3 =	vperm.xlane v3, v2  }
0x34c: {  	[tilespmem:s26], [sflag:$0x3] =	stream.indirect_vreg.gather [hbm4b:s3+s5], $0x80, v6, vm6, $0xb8;
	[tilespmem:$0x1B300] =	vst v63  }
0x34d: {  	v3 =	vadd.s32 v1, v3  }
0x34e: {  	[tilespmem:s1], [sflag:$0x3] =	stream.indirect_vreg.gather [hbm4b:s7+s5], $0x80, v6, vm6, $0xb8;
	[tilespmem:$0x1B300] =	vst v63  }
0x34f: {  	s30 =	simm.s32 $0xD200  }
0x350: {  	[tilespmem:s30], [sflag:$0x3] =	stream.indirect_vreg.gather [hbm4b:s8+s5], $0x80, v6, vm6, $0xb8;
	[tilespmem:$0x1B300] =	vst v63  }
0x351: {  	s31 =	simm.s32 $0xDA00  }
0x352: {  	[tilespmem:s31], [sflag:$0x3] =	stream.indirect_vreg.gather [hbm4b:s3+s5], $0x80, v3, vm6, $0xb8;
	[tilespmem:$0x1B300] =	vst v63  }
0x353: {  	s1 =	simm.s32 $0xE200  }
0x354: {  	[tilespmem:s1], [sflag:$0x3] =	stream.indirect_vreg.gather [hbm4b:s7+s5], $0x80, v3, vm6, $0xb8;
	[tilespmem:$0x1B300] =	vst v63  }
0x355: {  	s4 =	simm.s32 $0xEA00  }
0x356: {  	[tilespmem:s4], [sflag:$0x3] =	stream.indirect_vreg.gather [hbm4b:s8+s5], $0x80, v3, vm6, $0xb8;
	[tilespmem:$0x1B300] =	vst v63  }
0x357: {  	v3 =	vld [tilespmem:$0x1D0];
	_ =	sdelay $0x4  }
0x358: {  	v58 =	vshrl.u32 v3, $0x3  }
0x359: {  	v4 =	vmul.u32 $0x30, v58  }
0x35a: {  	v3 =	vand.u32 $0x7, v3  }
0x35b: {  	v3 =	vor.u32 v3, v4  }
0x35c: {  	v4 =	vperm.xlane v3, v0;
	_ =	sdelay $0x1  }
0x35d: {  	v4 =	vadd.s32 v1, v4;
	_ =	sdelay $0x3  }
0x35e: {  	s6 =	simm.s32 $0xF200;
	v3 =	vperm.xlane v3, v2  }
0x35f: {  	[tilespmem:s6], [sflag:$0x3] =	stream.indirect_vreg.gather [hbm4b:s3+s5], $0x80, v4, vm6, $0xb8;
	[tilespmem:$0x1B300] =	vst v63  }
0x360: {  	s10 =	simm.s32 $0xFA00;
	v3 =	vadd.s32 v1, v3  }
0x361: {  	[tilespmem:s10], [sflag:$0x3] =	stream.indirect_vreg.gather [hbm4b:s7+s5], $0x80, v4, vm6, $0xb8;
	[tilespmem:$0x1B300] =	vst v63  }
0x362: {  	s22 =	simm.s32 $0x10200  }
0x363: {  	[tilespmem:s22], [sflag:$0x3] =	stream.indirect_vreg.gather [hbm4b:s8+s5], $0x80, v4, vm6, $0xb8;
	[tilespmem:$0x1B300] =	vst v63  }
0x364: {  	s23 =	simm.s32 $0x10A00  }
0x365: {  	[tilespmem:s23], [sflag:$0x3] =	stream.indirect_vreg.gather [hbm4b:s3+s5], $0x80, v3, vm6, $0xb8;
	[tilespmem:$0x1B300] =	vst v63  }
0x366: {  	s28 =	simm.s32 $0x11200  }
0x367: {  	[tilespmem:s28], [sflag:$0x3] =	stream.indirect_vreg.gather [hbm4b:s7+s5], $0x80, v3, vm6, $0xb8;
	[tilespmem:$0x1B300] =	vst v63  }
0x368: {  	s29 =	simm.s32 $0x11A00  }
0x369: {  	[tilespmem:s29], [sflag:$0x3] =	stream.indirect_vreg.gather [hbm4b:s8+s5], $0x80, v3, vm6, $0xb8;
	[tilespmem:$0x1B300] =	vst v63  }
0x36a: {  	_ =	swait.ge [sflag:s24], $0x6000  }
0x36b: {  	[sflag:s24] =	ssyncset.done $0x0  }
0x36c: {  	s30 =	rddreg [dreg:$0x10];
	[sflag:s24] =	ssyncadd.s32 $0xFFFFA000  }
0x36d: {  	[hbm4b:s30+s5] =	stream.linear.scatter [tilespmem:s25], [sflag:$0x5], $0x6000, $0x38;
	[tilespmem:$0x1B300] =	vst v63  }
0x36e: {  	_ =	swait.ge [sflag:s20], $0x6000  }
0x36f: {  	[sflag:s20] =	ssyncset.done $0x0  }
0x370: {  	[sflag:s20] =	ssyncadd.s32 $0xFFFFA000  }
0x371: {  	v3 =	vld [tilespmem:$0x1E0];
	_ =	sdelay $0x4  }
0x372: {  	vm8 =	vgt.s32 v3, $0xFFFFE000  }
0x373: {  	v3 =	vnsel vm8, $0xFFFFE000, v3  }
0x374: {  	vm8 =	vlt.s32 v3, $0x1FFF  }
0x375: {  	v3 =	vnsel vm8, $0x1FFF, v3  }
0x376: {  	v59 =	vadd.s32 $0x2000, v3  }
0x377: {  	v60 =	vld [tilespmem:$0x1F0];
	v61 =	vshrl.u32 v59, $0x3  }
0x378: {  	v6 =	vmul.u32 $0x30, v61  }
0x379: {  	v3 =	vand.u32 $0x7, v3  }
0x37a: {  	v3 =	vor.u32 v3, v6  }
0x37b: {  	v6 =	vperm.xlane v3, v0  }
0x37c: {  	vm8 =	vgt.s32 v60, $0xFFFFE000  }
0x37d: {  	v5 =	vnsel vm8, $0xFFFFE000, v60;
	v6 =	vadd.s32 v1, v6  }
0x37e: {  	vm8 =	vlt.s32 v5, $0x1FFF  }
0x37f: {  	v5 =	vnsel vm8, $0x1FFF, v5  }
0x380: {  	[tilespmem:$0x1E0] =	vst v59;
	v62 =	vadd.s32 $0x2000, v5  }
0x381: {  	[tilespmem:$0x1F0] =	vst v62;
	v3 =	vperm.xlane v3, v2  }
0x382: {  	[tilespmem:s2], [sflag:$0x4] =	stream.indirect_vreg.gather [hbm4b:s3+s5], $0x80, v6, vm6, $0xb8;
	[tilespmem:$0x1B300] =	vst v63  }
0x383: {  	s31 =	simm.s32 $0x12A00;
	v3 =	vadd.s32 v1, v3  }
0x384: {  	[tilespmem:s31], [sflag:$0x4] =	stream.indirect_vreg.gather [hbm4b:s7+s5], $0x80, v6, vm6, $0xb8;
	[tilespmem:$0x1B300] =	vst v63  }
0x385: {  	s1 =	simm.s32 $0x13200  }
0x386: {  	[tilespmem:s1], [sflag:$0x4] =	stream.indirect_vreg.gather [hbm4b:s8+s5], $0x80, v6, vm6, $0xb8;
	[tilespmem:$0x1B300] =	vst v63  }
0x387: {  	s4 =	simm.s32 $0x13A00  }
0x388: {  	[tilespmem:s4], [sflag:$0x4] =	stream.indirect_vreg.gather [hbm4b:s3+s5], $0x80, v3, vm6, $0xb8;
	[tilespmem:$0x1B300] =	vst v63  }
0x389: {  	s6 =	simm.s32 $0x14200  }
0x38a: {  	[tilespmem:s6], [sflag:$0x4] =	stream.indirect_vreg.gather [hbm4b:s7+s5], $0x80, v3, vm6, $0xb8;
	[tilespmem:$0x1B300] =	vst v63  }
0x38b: {  	s10 =	simm.s32 $0x14A00  }
0x38c: {  	[tilespmem:s10], [sflag:$0x4] =	stream.indirect_vreg.gather [hbm4b:s8+s5], $0x80, v3, vm6, $0xb8;
	[tilespmem:$0x1B300] =	vst v63  }
0x38d: {  	v3 =	vld [tilespmem:$0x1F0];
	_ =	sdelay $0x4  }
0x38e: {  	v63 =	vshrl.u32 v3, $0x3  }
0x38f: {  	v4 =	vmul.u32 $0x30, v63  }
0x390: {  	v3 =	vand.u32 $0x7, v3  }
0x391: {  	v3 =	vor.u32 v3, v4  }
0x392: {  	v4 =	vperm.xlane v3, v0;
	_ =	sdelay $0x1  }
0x393: {  	v4 =	vadd.s32 v1, v4;
	_ =	sdelay $0x3  }
0x394: {  	s12 =	simm.s32 $0x15200;
	v3 =	vperm.xlane v3, v2  }
0x395: {  	[tilespmem:s12], [sflag:$0x4] =	stream.indirect_vreg.gather [hbm4b:s3+s5], $0x80, v4, vm6, $0xb8;
	[tilespmem:$0x1B300] =	vst v63  }
0x396: {  	v3 =	vadd.s32 v1, v3;
	s12 =	simm.s32 $0x15A00  }
0x397: {  	[tilespmem:s12], [sflag:$0x4] =	stream.indirect_vreg.gather [hbm4b:s7+s5], $0x80, v4, vm6, $0xb8;
	[tilespmem:$0x1B300] =	vst v63  }
0x398: {  	s22 =	simm.s32 $0x16200  }
0x399: {  	[tilespmem:s22], [sflag:$0x4] =	stream.indirect_vreg.gather [hbm4b:s8+s5], $0x80, v4, vm6, $0xb8;
	[tilespmem:$0x1B300] =	vst v63  }
0x39a: {  	s23 =	simm.s32 $0x16A00  }
0x39b: {  	[tilespmem:s23], [sflag:$0x4] =	stream.indirect_vreg.gather [hbm4b:s3+s5], $0x80, v3, vm6, $0xb8;
	[tilespmem:$0x1B300] =	vst v63  }
0x39c: {  	s13 =	simm.s32 $0x17200  }
0x39d: {  	[tilespmem:s13], [sflag:$0x4] =	stream.indirect_vreg.gather [hbm4b:s7+s5], $0x80, v3, vm6, $0xb8;
	[tilespmem:$0x1B300] =	vst v63  }
0x39e: {  	s28 =	simm.s32 $0x17A00  }
0x39f: {  	[tilespmem:s28], [sflag:$0x4] =	stream.indirect_vreg.gather [hbm4b:s8+s5], $0x80, v3, vm6, $0xb8;
	[tilespmem:$0x1B300] =	vst v63  }
0x3a0: {  	_ =	swait.ge [sflag:s14], $0x6000  }
0x3a1: {  	[sflag:s14] =	ssyncset.done $0x0  }
0x3a2: {  	s29 =	rddreg [dreg:$0x11];
	[sflag:s14] =	ssyncadd.s32 $0xFFFFA000  }
0x3a3: {  	[hbm4b:s29+s5] =	stream.linear.scatter [tilespmem:s9], [sflag:$0x6], $0x6000, $0x38;
	[tilespmem:$0x1B300] =	vst v63  }
0x3a4: {  	_ =	swait.ge [sflag:s16], $0x6000  }
0x3a5: {  	[sflag:s16] =	ssyncset.done $0x0  }
0x3a6: {  	s30 =	rddreg [dreg:$0x12];
	[sflag:s16] =	ssyncadd.s32 $0xFFFFA000  }
0x3a7: {  	[hbm4b:s30+s5] =	stream.linear.scatter [tilespmem:s26], [sflag:$0x7], $0x6000, $0x38;
	[tilespmem:$0x1B300] =	vst v63  }
0x3a8: {  	_ =	swait.ge [sflag:s18], $0x6000  }
0x3a9: {  	[sflag:s18] =	ssyncset.done $0x0  }
0x3aa: {  	s31 =	rddreg [dreg:$0x13];
	[sflag:s18] =	ssyncadd.s32 $0xFFFFA000  }
0x3ab: {  	[hbm4b:s31+s5] =	stream.linear.scatter [tilespmem:s2], [sflag:$0x8], $0x6000, $0x38;
	[tilespmem:$0x1B300] =	vst v63  }
0x3ac: {  	_ =	swait.ge [sflag:s15], $0x6000  }
0x3ad: {  	[sflag:s15] =	ssyncset.done $0x0  }
0x3ae: {  	[sflag:s15] =	ssyncadd.s32 $0xFFFFA000  }
0x3af: {  	_ =	swait.ge [sflag:s17], $0x6000  }
0x3b0: {  	[sflag:s17] =	ssyncset.done $0x0  }
0x3b1: {  	[sflag:s17] =	ssyncadd.s32 $0xFFFFA000  }
0x3b2: {  	_ =	swait.ge [sflag:s19], $0x6000  }
0x3b3: {  	[sflag:s19] =	ssyncset.done $0x0  }
0x3b4: {  	s11 =	sadd.s32 $0xFFFFFFFF, s11;
	[sflag:s19] =	ssyncadd.s32 $0xFFFFA000  }
0x3b5: {  	p1 =	sne.s32 s11, $0x0;
	_ =	swait.ge [sflag:s20], $0x6000  }
.Ltmp0:
0x3b6: {  	[sflag:s20] =	ssyncset.done $0x0;
	(pc) =	sbr.rel @p1 .LBB2_1-.Ltmp0, $4  }
0x3b7: {  	[sflag:s20] =	ssyncadd.s32 $0xFFFFA000  }
0x3b8: {  	_ =	swait.ge @!p0 [sflag:s21], $0x3000  }
0x3b9: {  	[sflag:s21] =	ssyncset.done @!p0 $0x0  }
0x3ba: {  	[sflag:s21] =	ssyncadd.s32 @!p0 $0xFFFFD000  }
0x3bb: {  	_ =	sfence.sel $0x180000  }
0x3bc: {  	[bflag:$0x0] =	sbarrier.arrive $0xFFFF  }
0x3bd: {  	_ =	strace $0x90000047  }
0x3be: {  	s0 =	stileid.u32;
	[bflag:$0x2] =	sbarrier.arrive $0xFFFF  }
0x3bf: {  	p0 =	sne.s32 s0, $0x0;
	s0 =	rddreg [dreg:$0x3]  }
0x3c0: {  	s0 =	sadd.s32 @!p0 $0x100000, s0  }
0x3c1: {  	[sflag:s0] =	ssyncadd.tile.s32 @!p0 $0x1;
	_ =	shalt  }
.Lfunc_end2:
_tile_overlayer_lowered:
.L_overlay_start_2:
0x3c2: {  	(tag) =	ssettag $0x2  }
0x3c3: {  	s0 =	rddreg [dreg:$0x0];
	s2 =	stileid.u32  }
0x3c4: {  	s1 =	rddreg [dreg:$0x1];
	p0 =	sne.s32 s2, $0x0  }
0x3c5: {  	s3 =	rddreg [dreg:$0x2];
	[bflag:$0x3] =	sbarrier.arrive $0xFFFF;
	s2 =	simm.s32 @!p0 $0x1C0A  }
0x3c6: {  	[timem:s3], [sflag:s2] =	dma.local @!p0 [hbm:s0], s1  }
0x3c7: {  	s0 =	simm.s32 @!p0 $0xA  }
0x3c8: {  	_ =	swait.ge @!p0 [sflag:s0], s1  }
0x3c9: {  	s1 =	ssub.s32 @!p0 $0x0, s1;
	[sflag:s0] =	ssyncset.done @!p0 $0x0  }
0x3ca: {  	[sflag:s0] =	ssyncadd.s32 @!p0 s1  }
0x3cb: {  	[bflag:$0x3] =	sbarrier.arrive $0xFFFF  }
0x3cc: {  	_ =	shalt  }

</sc_bundles>
